<compile_context>
chip_gen: v7x
topology: tpu7x:2x2x1
jax: 0.10.2.dev20260603
libtpu: 0.0.44.dev20260713+nightly
codegen_flags: <defaults>
</compile_context>

<pallas_src>
import functools

import jax
import jax.numpy as jnp
from jax import lax
from jax.experimental import pallas as pl
from jax.experimental.pallas import tpu as pltpu
from jax.experimental.pallas import tpu_sc as plsc

E = 320000
NN = 10000
NP = 10112
H = 4
F = 32
HF = H * F
IN_F = 128

NW = 32
PT = 10000

BE = 6400

_HIGH = jax.lax.Precision.HIGHEST



def _u_body(w_ref, a_ref, u_ref):
    u_ref[...] = jnp.dot(w_ref[...], a_ref[...],
                         preferred_element_type=jnp.float32, precision=_HIGH)


def _u_mats(w, a_cat):
    return pl.pallas_call(
        _u_body,
        out_shape=jax.ShapeDtypeStruct((IN_F, 2 * H), jnp.float32),
    )(w, a_cat)



def _proj_score_body(ms_ref, mt_ref, w_ref, u_ref, proj_ref, exp_ref):
    u = u_ref[...]
    ss = lax.dot_general(u[:, :H], ms_ref[...], (((0,), (1,)), ((), ())),
                         preferred_element_type=jnp.float32)
    proj = jnp.dot(mt_ref[...], w_ref[...], preferred_element_type=jnp.float32,
                   precision=_HIGH)
    proj_ref[...] = proj
    st = lax.dot_general(u[:, H:], mt_ref[...], (((0,), (1,)), ((), ())),
                         preferred_element_type=jnp.float32)
    s = ss + st
    s = jnp.where(s >= 0.0, s, 0.2 * s)
    exp_ref[...] = jnp.exp(s)


def _proj_and_scores(ms, mt, w, u):
    return pl.pallas_call(
        _proj_score_body,
        grid=(E // BE,),
        in_specs=[
            pl.BlockSpec((BE, IN_F), lambda i: (i, 0)),
            pl.BlockSpec((BE, IN_F), lambda i: (i, 0)),
            pl.BlockSpec((IN_F, HF), lambda i: (0, 0)),
            pl.BlockSpec((IN_F, 2 * H), lambda i: (0, 0)),
        ],
        out_specs=[
            pl.BlockSpec((BE, HF), lambda i: (i + E // BE, 0)),
            pl.BlockSpec((H, BE), lambda i: (0, i)),
        ],
        out_shape=[
            jax.ShapeDtypeStruct((2 * E, HF), jnp.float32),
            jax.ShapeDtypeStruct((H, E), jnp.float32),
        ],
    )(ms, mt, w, u)



NP16 = NP * H // 16
PT16 = PT * H // 16
HALF = NP16 // 2
RED = HALF // 16


def _denom_body(idx_hbm, exp_hbm, out_hbm, idx_v, val_v, acc, shared):
    c = lax.axis_index("c")
    s = lax.axis_index("s")
    wid = c * 16 + s
    zeros = jnp.zeros((16,), jnp.float32)

    def z_body(r, carry):
        acc[r, :] = zeros
        return carry
    lax.fori_loop(0, NP16, z_body, 0)

    pltpu.sync_copy(idx_hbm.at[wid], idx_v)
    pltpu.sync_copy(exp_hbm.at[:, wid], val_v)

    def sc_body(r, carry):
        idx16 = idx_v[pl.ds(r * 16, 16)]
        f0 = idx16 * 4
        for h in range(H):
            f = f0 + h
            plsc.addupdate_scatter(acc, [f >> 4, f & 15],
                                   val_v[h, pl.ds(r * 16, 16)])
        return carry
    lax.fori_loop(0, PT // 16, sc_body, 0)

    for half in range(2):
        plsc.subcore_barrier()
        pltpu.sync_copy(acc.at[pl.ds(half * HALF, HALF)], shared.at[s])
        plsc.subcore_barrier()

        def rz_body(r, carry):
            acc[RED + r, :] = zeros
            return carry
        lax.fori_loop(0, RED, rz_body, 0)

        def r_body(t, carry):
            pltpu.sync_copy(shared.at[t, pl.ds(s * RED, RED)],
                            acc.at[pl.ds(0, RED)])

            def a_body(r, carry2):
                acc[RED + r, :] = acc[RED + r, :] + acc[r, :]
                return carry2
            lax.fori_loop(0, RED, a_body, 0)
            return carry
        lax.fori_loop(0, 16, r_body, 0)
        pltpu.sync_copy(acc.at[pl.ds(RED, RED)],
                        out_hbm.at[c, pl.ds(half * HALF + s * RED, RED)])


@functools.cache
def _denom_kernel():
    return pl.kernel(
        _denom_body,
        out_type=jax.ShapeDtypeStruct((2, NP16, 16), jnp.float32),
        mesh=plsc.VectorSubcoreMesh(core_axis_name="c", subcore_axis_name="s",
                                    num_cores=2, num_subcores=16),
        scratch_types=[
            pltpu.VMEM((PT,), jnp.int32),
            pltpu.VMEM((H, PT), jnp.float32),
            pltpu.VMEM((NP16, 16), jnp.float32),
            pltpu.VMEM_SHARED((16, HALF, 16), jnp.float32),
        ],
        compiler_params=pltpu.CompilerParams(use_tc_tiling_on_sc=False, needs_layout_passes=False),
    )



CH = NP16 // 16


def _attn_body(idx_hbm, exp_hbm, dp_hbm, attn_hbm, idx_v, val_v, den_v, tmp_v):
    c = lax.axis_index("c")
    s = lax.axis_index("s")
    wid = c * 16 + s
    pltpu.sync_copy(dp_hbm.at[0], den_v)

    def chunk_body(k, carry):
        pltpu.sync_copy(dp_hbm.at[1, pl.ds(k * CH, CH)], tmp_v)

        def add_body(r, carry2):
            den_v[k * CH + r, :] = den_v[k * CH + r, :] + tmp_v[r, :]
            return carry2
        lax.fori_loop(0, CH, add_body, 0)
        return carry

    lax.fori_loop(0, 16, chunk_body, 0)
    pltpu.sync_copy(idx_hbm.at[wid], idx_v)
    pltpu.sync_copy(exp_hbm.at[:, wid], val_v)

    def div_body(r, carry):
        idx16 = idx_v[pl.ds(r * 16, 16)]
        f0 = idx16 * 4
        for h in range(H):
            f = f0 + h
            d = plsc.load_gather(den_v, [f >> 4, f & 15])
            val_v[h, pl.ds(r * 16, 16)] = (
                val_v[h, pl.ds(r * 16, 16)] / (d + 1e-16))
        return carry

    lax.fori_loop(0, PT // 16, div_body, 0)
    pltpu.sync_copy(val_v, attn_hbm.at[:, wid])


@functools.cache
def _attn_kernel():
    return pl.kernel(
        _attn_body,
        out_type=jax.ShapeDtypeStruct((H, NW, PT), jnp.float32),
        mesh=plsc.VectorSubcoreMesh(core_axis_name="c", subcore_axis_name="s",
                                    num_cores=2, num_subcores=16),
        scratch_types=[
            pltpu.VMEM((PT,), jnp.int32),
            pltpu.VMEM((H, PT), jnp.float32),
            pltpu.VMEM((NP16, 16), jnp.float32),
            pltpu.VMEM((CH, 16), jnp.float32),
        ],
        compiler_params=pltpu.CompilerParams(use_tc_tiling_on_sc=False, needs_layout_passes=False),
    )



def _weight_body(attn_ref, proj_ref, s_ref, out_ref):
    b = lax.dot_general(attn_ref[...], s_ref[...], (((0,), (0,)), ((), ())),
                        preferred_element_type=jnp.float32)
    out_ref[...] = proj_ref[...] * b


def _weighted(attn_rows, buf, s_mat):
    return pl.pallas_call(
        _weight_body,
        grid=(E // BE,),
        in_specs=[
            pl.BlockSpec((H, BE), lambda i: (0, i)),
            pl.BlockSpec((BE, HF), lambda i: (i + E // BE, 0)),
            pl.BlockSpec((H, HF), lambda i: (0, 0)),
        ],
        out_specs=pl.BlockSpec((BE, HF), lambda i: (i, 0)),
        out_shape=jax.ShapeDtypeStruct((2 * E, HF), jnp.float32),
        input_output_aliases={1: 0},
    )(attn_rows, buf, s_mat)



def kernel(messages, factor_var_adjacency, W, a_source, a_target):
    idx = factor_var_adjacency[0].astype(jnp.int32)
    ms = messages[:E]
    mt = messages[E:2 * E]

    eye = jnp.eye(H, dtype=jnp.float32)
    a_s = (a_source[0][:, :, None] * eye[:, None, :]).reshape(HF, H)
    a_t = (a_target[0][:, :, None] * eye[:, None, :]).reshape(HF, H)

    u = _u_mats(W, jnp.concatenate([a_s, a_t], axis=1))
    buf, exp_rows = _proj_and_scores(ms, mt, W, u)

    idx_sc = idx.reshape(NW, PT)
    exp_sc = exp_rows.reshape(H, NW, PT)

    denom_parts = _denom_kernel()(idx_sc, exp_sc)
    attn_rows = _attn_kernel()(idx_sc, exp_sc, denom_parts).reshape(H, E)

    s_mat = (jnp.arange(HF, dtype=jnp.int32)[None, :] // F
             == jnp.arange(H, dtype=jnp.int32)[:, None]).astype(jnp.float32)

    return _weighted(attn_rows, buf, s_mat)

# --- scband reference (transcript-rebuilt; emitter-appended) ---
"""Pipeline reference for scband-gatlayer-50053548868137 (READ-ONLY COPY).

The authoritative reference and input builder live on the scoring server;
editing this copy changes nothing except your own understanding.
"""

import jax, jax.numpy as jnp
import numpy as np

N_NODES = 10000
N_EDGES = 320000
IN_F = 128
H = 4
F = 32


def setup_inputs(seed: int = 0) -> dict:
    key = jax.random.key(seed)
    k1, k2, k3, k4, k5 = jax.random.split(key, 5)
    messages = jax.random.normal(k1, (2 * N_EDGES, IN_F), dtype=jnp.float32)
    factor_var_adjacency = jax.random.randint(k2, (2, N_EDGES), 0, N_NODES)
    # xavier_uniform for W: torch Linear weight [H*F, IN_F]; stored here as [IN_F, H*F]
    limit_w = float(np.sqrt(6.0 / (IN_F + H * F)))
    W = jax.random.uniform(k3, (IN_F, H * F), minval=-limit_w, maxval=limit_w, dtype=jnp.float32)
    # xavier_uniform for a_{source,target} of shape [1, H, F]: fan_in=H*F, fan_out=F
    limit_a = float(np.sqrt(6.0 / (H * F + F)))
    a_source = jax.random.uniform(k4, (1, H, F), minval=-limit_a, maxval=limit_a, dtype=jnp.float32)
    a_target = jax.random.uniform(k5, (1, H, F), minval=-limit_a, maxval=limit_a, dtype=jnp.float32)
    return {"messages": messages, "factor_var_adjacency": factor_var_adjacency,
            "W": W, "a_source": a_source, "a_target": a_target}


def _scatter_softmax(src, index, num_segments):
    # numerically-stable segment softmax (per head, over edges grouped by index)
    seg_max = jax.ops.segment_max(src, index, num_segments=num_segments)
    seg_max = jnp.where(jnp.isfinite(seg_max), seg_max, 0.0)
    exp = jnp.exp(src - seg_max[index])
    denom = jax.ops.segment_sum(exp, index, num_segments=num_segments)
    return exp / (denom[index] + 1e-16)


def reference(messages, factor_var_adjacency, W, a_source, a_target):
    # msg_type='factor' -> idx 0; dropout p=0.0 -> identity; activation=None; bias=False
    index = factor_var_adjacency[0]
    n_edges = factor_var_adjacency.shape[1]
    messages_source = messages[:n_edges]
    messages_target = messages[n_edges:2 * n_edges]
    proj_source = (messages_source @ W).reshape(-1, H, F)
    proj_target = (messages_target @ W).reshape(-1, H, F)
    score_source = jnp.sum(proj_source * a_source, axis=-1)  # [E, H]
    score_target = jnp.sum(proj_target * a_target, axis=-1)  # [E, H]
    score_edges = jax.nn.leaky_relu(score_source + score_target, negative_slope=0.2)
    attentions = _scatter_softmax(score_edges, index, N_NODES)  # [E, H]
    attentions = attentions[..., None]
    weighted = attentions * proj_target  # [E, H, F]
    # concat=True branch
    weighted = weighted.reshape(-1, H * F)
    placeholder = proj_target.reshape(-1, H * F)
    return jnp.concatenate([weighted, placeholder], axis=0)

if __name__ == "__main__":
    import jax
    _d = setup_inputs()
    print(jax.jit(kernel)(*tuple(_d.values())))

</pallas_src>

<mosaic_0001>
#map = affine_map<(d0, d1) -> (0, 0)>
#map1 = affine_map<(d0, d1) -> (0, 0, 0)>
module attributes {stable_mosaic.version = 14 : i64} {
  func.func @_denom_body(%arg0: i32, %arg1: i32, %arg2: memref<32x10000xi32, #tpu.memory_space<hbm>>, %arg3: memref<4x32x10000xf32, #tpu.memory_space<hbm>>, %arg4: memref<2x2528x16xf32, #tpu.memory_space<hbm>>, %arg5: memref<10000xi32, #tpu.memory_space<vmem>>, %arg6: memref<4x10000xf32, #tpu.memory_space<vmem>>, %arg7: memref<2528x16xf32, #tpu.memory_space<vmem>>, %arg8: memref<16x1264x16xf32, #tpu.memory_space<vmem_shared>>) attributes {dimension_semantics = [#tpu.dimension_semantics<core_parallel>, #tpu.dimension_semantics<subcore_parallel>], iteration_bounds = array<i64: 2, 16>, scalar_prefetch = 0 : i64, scratch_operands = 4 : i64, tpu.core_type = #tpu.core_type<sc_vector_subcore>, window_params = [{transform_indices = #map}, {transform_indices = #map1}, {transform_indices = #map1}]} {
    %mul3A = arith.constant 16 : i32
    %mul3A_0 = arith.muli %arg0, %mul3A : i32
    %add3A = arith.addi %mul3A_0, %arg1 : i32
    %broadcast_in_dim3A = arith.constant 0.000000e+00 : f32
    %broadcast_in_dim3A_1 = vector.broadcast %broadcast_in_dim3A : f32 to vector<16xf32>
    %scan3A = arith.constant 0 : i32
    %scan3A_2 = arith.constant 0 : i32
    %scan3A_3 = arith.constant 2528 : i32
    %scan3A_4 = arith.addi %scan3A_2, %scan3A_3 : i32
    %scan3A_5 = arith.constant 1 : i32
    scf.for %scan3A_48 = %scan3A_2 to %scan3A_4 step %scan3A_5  : i32 {
      %swap3A = arith.index_cast %scan3A_48 : i32 to index
      %swap3A_49 = arith.constant 0 : index
      %swap3A_50 = tpu.vector_load %arg7[%swap3A, %swap3A_49] {strides = array<i32>} : memref<2528x16xf32, #tpu.memory_space<vmem>>, vector<16xf32>,
      tpu.vector_store %arg7[%swap3A, %swap3A_49], %broadcast_in_dim3A_1 {strides = array<i32>} : memref<2528x16xf32, #tpu.memory_space<vmem>>, vector<16xf32>,
    }
    %scan3A_6 = arith.constant 2528 : i32
    "tpu.region"() ({
      %run_scoped3A = tpu.sem_alloc : memref<!tpu.dma_semaphore, #tpu.memory_space<semaphore_mem>>
      %dma_start3A = arith.constant 0 : i32
      %dma_start3A_48 = tpu.memref_slice %arg2[%add3A, %dma_start3A] : memref<32x10000xi32, #tpu.memory_space<hbm>> -> memref<1x10000xi32, #tpu.memory_space<hbm>>
      %dma_start3A_49 = tpu.memref_squeeze %dma_start3A_48 : memref<1x10000xi32, #tpu.memory_space<hbm>> -> memref<10000xi32, #tpu.memory_space<hbm>>
      %dma_start3A_50 = arith.constant 0 : i32
      %dma_start3A_51 = tpu.memref_slice %arg2[%add3A, %dma_start3A_50] : memref<32x10000xi32, #tpu.memory_space<hbm>> -> memref<1x10000xi32, #tpu.memory_space<hbm>>
      %dma_start3A_52 = tpu.memref_squeeze %dma_start3A_51 : memref<1x10000xi32, #tpu.memory_space<hbm>> -> memref<10000xi32, #tpu.memory_space<hbm>>
      tpu.enqueue_dma source(%dma_start3A_52 : memref<10000xi32, #tpu.memory_space<hbm>>) target(%arg5 : memref<10000xi32, #tpu.memory_space<vmem>>) target_semaphore(%run_scoped3A : memref<!tpu.dma_semaphore, #tpu.memory_space<semaphore_mem>>)
      %dma_wait3A = arith.constant 0 : i32
      %dma_wait3A_53 = tpu.memref_slice %arg2[%add3A, %dma_wait3A] : memref<32x10000xi32, #tpu.memory_space<hbm>> -> memref<1x10000xi32, #tpu.memory_space<hbm>>
      %dma_wait3A_54 = tpu.memref_squeeze %dma_wait3A_53 : memref<1x10000xi32, #tpu.memory_space<hbm>> -> memref<10000xi32, #tpu.memory_space<hbm>>
      %dma_wait3A_55 = arith.constant 0 : i32
      %dma_wait3A_56 = tpu.memref_slice %arg2[%add3A, %dma_wait3A_55] : memref<32x10000xi32, #tpu.memory_space<hbm>> -> memref<1x10000xi32, #tpu.memory_space<hbm>>
      %dma_wait3A_57 = tpu.memref_squeeze %dma_wait3A_56 : memref<1x10000xi32, #tpu.memory_space<hbm>> -> memref<10000xi32, #tpu.memory_space<hbm>>
      tpu.wait_dma2 semaphore(%run_scoped3A : memref<!tpu.dma_semaphore, #tpu.memory_space<semaphore_mem>>) src(%dma_wait3A_57 : memref<10000xi32, #tpu.memory_space<hbm>>) dst(%arg5 : memref<10000xi32, #tpu.memory_space<vmem>>)
      tpu.yield
    }) : () -> ()
    "tpu.region"() ({
      %run_scoped3A = tpu.sem_alloc : memref<!tpu.dma_semaphore, #tpu.memory_space<semaphore_mem>>
      %dma_start3A = arith.constant 0 : i32
      %dma_start3A_48 = arith.constant 0 : i32
      %dma_start3A_49 = tpu.memref_slice %arg3[%dma_start3A, %add3A, %dma_start3A_48] : memref<4x32x10000xf32, #tpu.memory_space<hbm>> -> memref<4x1x10000xf32, #tpu.memory_space<hbm>>
      %dma_start3A_50 = tpu.memref_squeeze %dma_start3A_49 : memref<4x1x10000xf32, #tpu.memory_space<hbm>> -> memref<4x10000xf32, #tpu.memory_space<hbm>>
      %dma_start3A_51 = arith.constant 0 : i32
      %dma_start3A_52 = arith.constant 0 : i32
      %dma_start3A_53 = tpu.memref_slice %arg3[%dma_start3A_51, %add3A, %dma_start3A_52] : memref<4x32x10000xf32, #tpu.memory_space<hbm>> -> memref<4x1x10000xf32, #tpu.memory_space<hbm>>
      %dma_start3A_54 = tpu.memref_squeeze %dma_start3A_53 : memref<4x1x10000xf32, #tpu.memory_space<hbm>> -> memref<4x10000xf32, #tpu.memory_space<hbm>>
      tpu.enqueue_dma source(%dma_start3A_54 : memref<4x10000xf32, #tpu.memory_space<hbm>>) target(%arg6 : memref<4x10000xf32, #tpu.memory_space<vmem>>) target_semaphore(%run_scoped3A : memref<!tpu.dma_semaphore, #tpu.memory_space<semaphore_mem>>)
      %dma_wait3A = arith.constant 0 : i32
      %dma_wait3A_55 = arith.constant 0 : i32
      %dma_wait3A_56 = tpu.memref_slice %arg3[%dma_wait3A, %add3A, %dma_wait3A_55] : memref<4x32x10000xf32, #tpu.memory_space<hbm>> -> memref<4x1x10000xf32, #tpu.memory_space<hbm>>
      %dma_wait3A_57 = tpu.memref_squeeze %dma_wait3A_56 : memref<4x1x10000xf32, #tpu.memory_space<hbm>> -> memref<4x10000xf32, #tpu.memory_space<hbm>>
      %dma_wait3A_58 = arith.constant 0 : i32
      %dma_wait3A_59 = arith.constant 0 : i32
      %dma_wait3A_60 = tpu.memref_slice %arg3[%dma_wait3A_58, %add3A, %dma_wait3A_59] : memref<4x32x10000xf32, #tpu.memory_space<hbm>> -> memref<4x1x10000xf32, #tpu.memory_space<hbm>>
      %dma_wait3A_61 = tpu.memref_squeeze %dma_wait3A_60 : memref<4x1x10000xf32, #tpu.memory_space<hbm>> -> memref<4x10000xf32, #tpu.memory_space<hbm>>
      tpu.wait_dma2 semaphore(%run_scoped3A : memref<!tpu.dma_semaphore, #tpu.memory_space<semaphore_mem>>) src(%dma_wait3A_61 : memref<4x10000xf32, #tpu.memory_space<hbm>>) dst(%arg6 : memref<4x10000xf32, #tpu.memory_space<vmem>>)
      tpu.yield
    }) : () -> ()
    %scan3A_7 = arith.constant 0 : i32
    %scan3A_8 = arith.constant 0 : i32
    %scan3A_9 = arith.constant 625 : i32
    %scan3A_10 = arith.addi %scan3A_8, %scan3A_9 : i32
    %scan3A_11 = arith.constant 1 : i32
    scf.for %scan3A_48 = %scan3A_8 to %scan3A_10 step %scan3A_11  : i32 {
      %mul3A_49 = arith.constant 16 : i32
      %mul3A_50 = arith.muli %scan3A_48, %mul3A_49 : i32
      %get3A = arith.index_cast %mul3A_50 : i32 to index
      %get3A_51 = tpu.vector_load %arg5[%get3A] {strides = array<i32>} : memref<10000xi32, #tpu.memory_space<vmem>>, vector<16xi32>,
      %mul3A_52 = arith.constant 4 : i32
      %mul3A_53 = vector.broadcast %mul3A_52 : i32 to vector<16xi32>
      %mul3A_54 = arith.muli %get3A_51, %mul3A_53 : vector<16xi32>
      %add3A_55 = arith.constant 0 : i32
      %add3A_56 = vector.broadcast %add3A_55 : i32 to vector<16xi32>
      %add3A_57 = arith.addi %mul3A_54, %add3A_56 : vector<16xi32>
      %shift_right_arithmetic3A = arith.constant 4 : i32
      %shift_right_arithmetic3A_58 = vector.broadcast %shift_right_arithmetic3A : i32 to vector<16xi32>
      %shift_right_arithmetic3A_59 = arith.shrsi %add3A_57, %shift_right_arithmetic3A_58 : vector<16xi32>
      %and3A = arith.constant 15 : i32
      %and3A_60 = vector.broadcast %and3A : i32 to vector<16xi32>
      %and3A_61 = arith.andi %add3A_57, %and3A_60 : vector<16xi32>
      %mul3A_62 = arith.constant 16 : i32
      %mul3A_63 = arith.muli %scan3A_48, %mul3A_62 : i32
      %get3A_64 = arith.constant 0 : i32
      %get3A_65 = arith.index_cast %get3A_64 : i32 to index
      %get3A_66 = arith.index_cast %mul3A_63 : i32 to index
      %get3A_67 = tpu.vector_load %arg6[%get3A_65, %get3A_66] {strides = array<i32>} : memref<4x10000xf32, #tpu.memory_space<vmem>>, vector<16xf32>,
      tpu.vector_store_idx %arg7[%shift_right_arithmetic3A_59, %and3A_61], %get3A_67 {add = true} : memref<2528x16xf32, #tpu.memory_space<vmem>>[vector<16xi32>, vector<16xi32>], vector<16xf32>,
      %add3A_68 = arith.constant 1 : i32
      %add3A_69 = vector.broadcast %add3A_68 : i32 to vector<16xi32>
      %add3A_70 = arith.addi %mul3A_54, %add3A_69 : vector<16xi32>
      %shift_right_arithmetic3A_71 = arith.constant 4 : i32
      %shift_right_arithmetic3A_72 = vector.broadcast %shift_right_arithmetic3A_71 : i32 to vector<16xi32>
      %shift_right_arithmetic3A_73 = arith.shrsi %add3A_70, %shift_right_arithmetic3A_72 : vector<16xi32>
      %and3A_74 = arith.constant 15 : i32
      %and3A_75 = vector.broadcast %and3A_74 : i32 to vector<16xi32>
      %and3A_76 = arith.andi %add3A_70, %and3A_75 : vector<16xi32>
      %mul3A_77 = arith.constant 16 : i32
      %mul3A_78 = arith.muli %scan3A_48, %mul3A_77 : i32
      %get3A_79 = arith.constant 1 : i32
      %get3A_80 = arith.index_cast %get3A_79 : i32 to index
      %get3A_81 = arith.index_cast %mul3A_78 : i32 to index
      %get3A_82 = tpu.vector_load %arg6[%get3A_80, %get3A_81] {strides = array<i32>} : memref<4x10000xf32, #tpu.memory_space<vmem>>, vector<16xf32>,
      tpu.vector_store_idx %arg7[%shift_right_arithmetic3A_73, %and3A_76], %get3A_82 {add = true} : memref<2528x16xf32, #tpu.memory_space<vmem>>[vector<16xi32>, vector<16xi32>], vector<16xf32>,
      %add3A_83 = arith.constant 2 : i32
      %add3A_84 = vector.broadcast %add3A_83 : i32 to vector<16xi32>
      %add3A_85 = arith.addi %mul3A_54, %add3A_84 : vector<16xi32>
      %shift_right_arithmetic3A_86 = arith.constant 4 : i32
      %shift_right_arithmetic3A_87 = vector.broadcast %shift_right_arithmetic3A_86 : i32 to vector<16xi32>
      %shift_right_arithmetic3A_88 = arith.shrsi %add3A_85, %shift_right_arithmetic3A_87 : vector<16xi32>
      %and3A_89 = arith.constant 15 : i32
      %and3A_90 = vector.broadcast %and3A_89 : i32 to vector<16xi32>
      %and3A_91 = arith.andi %add3A_85, %and3A_90 : vector<16xi32>
      %mul3A_92 = arith.constant 16 : i32
      %mul3A_93 = arith.muli %scan3A_48, %mul3A_92 : i32
      %get3A_94 = arith.constant 2 : i32
      %get3A_95 = arith.index_cast %get3A_94 : i32 to index
      %get3A_96 = arith.index_cast %mul3A_93 : i32 to index
      %get3A_97 = tpu.vector_load %arg6[%get3A_95, %get3A_96] {strides = array<i32>} : memref<4x10000xf32, #tpu.memory_space<vmem>>, vector<16xf32>,
      tpu.vector_store_idx %arg7[%shift_right_arithmetic3A_88, %and3A_91], %get3A_97 {add = true} : memref<2528x16xf32, #tpu.memory_space<vmem>>[vector<16xi32>, vector<16xi32>], vector<16xf32>,
      %add3A_98 = arith.constant 3 : i32
      %add3A_99 = vector.broadcast %add3A_98 : i32 to vector<16xi32>
      %add3A_100 = arith.addi %mul3A_54, %add3A_99 : vector<16xi32>
      %shift_right_arithmetic3A_101 = arith.constant 4 : i32
      %shift_right_arithmetic3A_102 = vector.broadcast %shift_right_arithmetic3A_101 : i32 to vector<16xi32>
      %shift_right_arithmetic3A_103 = arith.shrsi %add3A_100, %shift_right_arithmetic3A_102 : vector<16xi32>
      %and3A_104 = arith.constant 15 : i32
      %and3A_105 = vector.broadcast %and3A_104 : i32 to vector<16xi32>
      %and3A_106 = arith.andi %add3A_100, %and3A_105 : vector<16xi32>
      %mul3A_107 = arith.constant 16 : i32
      %mul3A_108 = arith.muli %scan3A_48, %mul3A_107 : i32
      %get3A_109 = arith.constant 3 : i32
      %get3A_110 = arith.index_cast %get3A_109 : i32 to index
      %get3A_111 = arith.index_cast %mul3A_108 : i32 to index
      %get3A_112 = tpu.vector_load %arg6[%get3A_110, %get3A_111] {strides = array<i32>} : memref<4x10000xf32, #tpu.memory_space<vmem>>, vector<16xf32>,
      tpu.vector_store_idx %arg7[%shift_right_arithmetic3A_103, %and3A_106], %get3A_112 {add = true} : memref<2528x16xf32, #tpu.memory_space<vmem>>[vector<16xi32>, vector<16xi32>], vector<16xf32>,
    }
    %scan3A_12 = arith.constant 625 : i32
    %barrier3A = arith.constant 0 : index
    tpu.barrier barrier_id(%barrier3A)
    "tpu.region"() ({
      %run_scoped3A = tpu.sem_alloc : memref<!tpu.dma_semaphore, #tpu.memory_space<semaphore_mem>>
      %dma_start3A = arith.constant 0 : i32
      %dma_start3A_48 = arith.constant 0 : i32
      %dma_start3A_49 = tpu.memref_slice %arg7[%dma_start3A, %dma_start3A_48] : memref<2528x16xf32, #tpu.memory_space<vmem>> -> memref<1264x16xf32, #tpu.memory_space<vmem>>
      %dma_start3A_50 = arith.constant 0 : i32
      %dma_start3A_51 = arith.constant 0 : i32
      %dma_start3A_52 = tpu.memref_slice %arg8[%arg1, %dma_start3A_50, %dma_start3A_51] : memref<16x1264x16xf32, #tpu.memory_space<vmem_shared>> -> memref<1x1264x16xf32, #tpu.memory_space<vmem_shared>>
      %dma_start3A_53 = tpu.memref_squeeze %dma_start3A_52 : memref<1x1264x16xf32, #tpu.memory_space<vmem_shared>> -> memref<1264x16xf32, #tpu.memory_space<vmem_shared>>
      %dma_start3A_54 = arith.constant 0 : i32
      %dma_start3A_55 = arith.constant 0 : i32
      %dma_start3A_56 = tpu.memref_slice %arg8[%arg1, %dma_start3A_54, %dma_start3A_55] : memref<16x1264x16xf32, #tpu.memory_space<vmem_shared>> -> memref<1x1264x16xf32, #tpu.memory_space<vmem_shared>>
      %dma_start3A_57 = tpu.memref_squeeze %dma_start3A_56 : memref<1x1264x16xf32, #tpu.memory_space<vmem_shared>> -> memref<1264x16xf32, #tpu.memory_space<vmem_shared>>
      %dma_start3A_58 = arith.constant 0 : i32
      %dma_start3A_59 = arith.constant 0 : i32
      %dma_start3A_60 = tpu.memref_slice %arg7[%dma_start3A_58, %dma_start3A_59] : memref<2528x16xf32, #tpu.memory_space<vmem>> -> memref<1264x16xf32, #tpu.memory_space<vmem>>
      tpu.enqueue_dma source(%dma_start3A_60 : memref<1264x16xf32, #tpu.memory_space<vmem>>) target(%dma_start3A_57 : memref<1264x16xf32, #tpu.memory_space<vmem_shared>>) target_semaphore(%run_scoped3A : memref<!tpu.dma_semaphore, #tpu.memory_space<semaphore_mem>>)
      %dma_wait3A = arith.constant 0 : i32
      %dma_wait3A_61 = arith.constant 0 : i32
      %dma_wait3A_62 = tpu.memref_slice %arg7[%dma_wait3A, %dma_wait3A_61] : memref<2528x16xf32, #tpu.memory_space<vmem>> -> memref<1264x16xf32, #tpu.memory_space<vmem>>
      %dma_wait3A_63 = arith.constant 0 : i32
      %dma_wait3A_64 = arith.constant 0 : i32
      %dma_wait3A_65 = tpu.memref_slice %arg8[%arg1, %dma_wait3A_63, %dma_wait3A_64] : memref<16x1264x16xf32, #tpu.memory_space<vmem_shared>> -> memref<1x1264x16xf32, #tpu.memory_space<vmem_shared>>
      %dma_wait3A_66 = tpu.memref_squeeze %dma_wait3A_65 : memref<1x1264x16xf32, #tpu.memory_space<vmem_shared>> -> memref<1264x16xf32, #tpu.memory_space<vmem_shared>>
      %dma_wait3A_67 = arith.constant 0 : i32
      %dma_wait3A_68 = arith.constant 0 : i32
      %dma_wait3A_69 = tpu.memref_slice %arg8[%arg1, %dma_wait3A_67, %dma_wait3A_68] : memref<16x1264x16xf32, #tpu.memory_space<vmem_shared>> -> memref<1x1264x16xf32, #tpu.memory_space<vmem_shared>>
      %dma_wait3A_70 = tpu.memref_squeeze %dma_wait3A_69 : memref<1x1264x16xf32, #tpu.memory_space<vmem_shared>> -> memref<1264x16xf32, #tpu.memory_space<vmem_shared>>
      %dma_wait3A_71 = arith.constant 0 : i32
      %dma_wait3A_72 = arith.constant 0 : i32
      %dma_wait3A_73 = tpu.memref_slice %arg7[%dma_wait3A_71, %dma_wait3A_72] : memref<2528x16xf32, #tpu.memory_space<vmem>> -> memref<1264x16xf32, #tpu.memory_space<vmem>>
      tpu.wait_dma2 semaphore(%run_scoped3A : memref<!tpu.dma_semaphore, #tpu.memory_space<semaphore_mem>>) src(%dma_wait3A_73 : memref<1264x16xf32, #tpu.memory_space<vmem>>) dst(%dma_wait3A_70 : memref<1264x16xf32, #tpu.memory_space<vmem_shared>>)
      tpu.yield
    }) : () -> ()
    %barrier3A_13 = arith.constant 0 : index
    tpu.barrier barrier_id(%barrier3A_13)
    %scan3A_14 = arith.constant 0 : i32
    %scan3A_15 = arith.constant 0 : i32
    %scan3A_16 = arith.constant 79 : i32
    %scan3A_17 = arith.addi %scan3A_15, %scan3A_16 : i32
    %scan3A_18 = arith.constant 1 : i32
    scf.for %scan3A_48 = %scan3A_15 to %scan3A_17 step %scan3A_18  : i32 {
      %add3A_49 = arith.constant 79 : i32
      %add3A_50 = arith.addi %add3A_49, %scan3A_48 : i32
      %swap3A = arith.index_cast %add3A_50 : i32 to index
      %swap3A_51 = arith.constant 0 : index
      %swap3A_52 = tpu.vector_load %arg7[%swap3A, %swap3A_51] {strides = array<i32>} : memref<2528x16xf32, #tpu.memory_space<vmem>>, vector<16xf32>,
      tpu.vector_store %arg7[%swap3A, %swap3A_51], %broadcast_in_dim3A_1 {strides = array<i32>} : memref<2528x16xf32, #tpu.memory_space<vmem>>, vector<16xf32>,
    }
    %scan3A_19 = arith.constant 79 : i32
    %scan3A_20 = arith.constant 0 : i32
    %scan3A_21 = arith.constant 0 : i32
    %scan3A_22 = arith.constant 16 : i32
    %scan3A_23 = arith.addi %scan3A_21, %scan3A_22 : i32
    %scan3A_24 = arith.constant 1 : i32
    scf.for %scan3A_48 = %scan3A_21 to %scan3A_23 step %scan3A_24  : i32 {
      %mul3A_49 = arith.constant 79 : i32
      %mul3A_50 = arith.muli %arg1, %mul3A_49 : i32
      "tpu.region"() ({
        %run_scoped3A = tpu.sem_alloc : memref<!tpu.dma_semaphore, #tpu.memory_space<semaphore_mem>>
        %dma_start3A = arith.constant 0 : i32
        %dma_start3A_57 = arith.constant 0 : i32
        %dma_start3A_58 = tpu.memref_slice %arg7[%dma_start3A, %dma_start3A_57] : memref<2528x16xf32, #tpu.memory_space<vmem>> -> memref<79x16xf32, #tpu.memory_space<vmem>>
        %dma_start3A_59 = arith.constant 0 : i32
        %dma_start3A_60 = tpu.memref_slice %arg8[%scan3A_48, %mul3A_50, %dma_start3A_59] : memref<16x1264x16xf32, #tpu.memory_space<vmem_shared>> -> memref<1x79x16xf32, #tpu.memory_space<vmem_shared>>
        %dma_start3A_61 = tpu.memref_squeeze %dma_start3A_60 : memref<1x79x16xf32, #tpu.memory_space<vmem_shared>> -> memref<79x16xf32, #tpu.memory_space<vmem_shared>>
        %dma_start3A_62 = arith.constant 0 : i32
        %dma_start3A_63 = arith.constant 0 : i32
        %dma_start3A_64 = tpu.memref_slice %arg7[%dma_start3A_62, %dma_start3A_63] : memref<2528x16xf32, #tpu.memory_space<vmem>> -> memref<79x16xf32, #tpu.memory_space<vmem>>
        %dma_start3A_65 = arith.constant 0 : i32
        %dma_start3A_66 = tpu.memref_slice %arg8[%scan3A_48, %mul3A_50, %dma_start3A_65] : memref<16x1264x16xf32, #tpu.memory_space<vmem_shared>> -> memref<1x79x16xf32, #tpu.memory_space<vmem_shared>>
        %dma_start3A_67 = tpu.memref_squeeze %dma_start3A_66 : memref<1x79x16xf32, #tpu.memory_space<vmem_shared>> -> memref<79x16xf32, #tpu.memory_space<vmem_shared>>
        tpu.enqueue_dma source(%dma_start3A_67 : memref<79x16xf32, #tpu.memory_space<vmem_shared>>) target(%dma_start3A_64 : memref<79x16xf32, #tpu.memory_space<vmem>>) target_semaphore(%run_scoped3A : memref<!tpu.dma_semaphore, #tpu.memory_space<semaphore_mem>>)
        %dma_wait3A = arith.constant 0 : i32
        %dma_wait3A_68 = arith.constant 0 : i32
        %dma_wait3A_69 = tpu.memref_slice %arg7[%dma_wait3A, %dma_wait3A_68] : memref<2528x16xf32, #tpu.memory_space<vmem>> -> memref<79x16xf32, #tpu.memory_space<vmem>>
        %dma_wait3A_70 = arith.constant 0 : i32
        %dma_wait3A_71 = tpu.memref_slice %arg8[%scan3A_48, %mul3A_50, %dma_wait3A_70] : memref<16x1264x16xf32, #tpu.memory_space<vmem_shared>> -> memref<1x79x16xf32, #tpu.memory_space<vmem_shared>>
        %dma_wait3A_72 = tpu.memref_squeeze %dma_wait3A_71 : memref<1x79x16xf32, #tpu.memory_space<vmem_shared>> -> memref<79x16xf32, #tpu.memory_space<vmem_shared>>
        %dma_wait3A_73 = arith.constant 0 : i32
        %dma_wait3A_74 = arith.constant 0 : i32
        %dma_wait3A_75 = tpu.memref_slice %arg7[%dma_wait3A_73, %dma_wait3A_74] : memref<2528x16xf32, #tpu.memory_space<vmem>> -> memref<79x16xf32, #tpu.memory_space<vmem>>
        %dma_wait3A_76 = arith.constant 0 : i32
        %dma_wait3A_77 = tpu.memref_slice %arg8[%scan3A_48, %mul3A_50, %dma_wait3A_76] : memref<16x1264x16xf32, #tpu.memory_space<vmem_shared>> -> memref<1x79x16xf32, #tpu.memory_space<vmem_shared>>
        %dma_wait3A_78 = tpu.memref_squeeze %dma_wait3A_77 : memref<1x79x16xf32, #tpu.memory_space<vmem_shared>> -> memref<79x16xf32, #tpu.memory_space<vmem_shared>>
        tpu.wait_dma2 semaphore(%run_scoped3A : memref<!tpu.dma_semaphore, #tpu.memory_space<semaphore_mem>>) src(%dma_wait3A_78 : memref<79x16xf32, #tpu.memory_space<vmem_shared>>) dst(%dma_wait3A_75 : memref<79x16xf32, #tpu.memory_space<vmem>>)
        tpu.yield
      }) : () -> ()
      %scan3A_51 = arith.constant 0 : i32
      %scan3A_52 = arith.constant 0 : i32
      %scan3A_53 = arith.constant 79 : i32
      %scan3A_54 = arith.addi %scan3A_52, %scan3A_53 : i32
      %scan3A_55 = arith.constant 1 : i32
      scf.for %scan3A_57 = %scan3A_52 to %scan3A_54 step %scan3A_55  : i32 {
        %add3A_58 = arith.constant 79 : i32
        %add3A_59 = arith.addi %add3A_58, %scan3A_57 : i32
        %get3A = arith.index_cast %add3A_59 : i32 to index
        %get3A_60 = arith.constant 0 : index
        %get3A_61 = tpu.vector_load %arg7[%get3A, %get3A_60] {strides = array<i32>} : memref<2528x16xf32, #tpu.memory_space<vmem>>, vector<16xf32>,
        %get3A_62 = arith.index_cast %scan3A_57 : i32 to index
        %get3A_63 = arith.constant 0 : index
        %get3A_64 = tpu.vector_load %arg7[%get3A_62, %get3A_63] {strides = array<i32>} : memref<2528x16xf32, #tpu.memory_space<vmem>>, vector<16xf32>,
        %add3A_65 = arith.addf %get3A_61, %get3A_64 : vector<16xf32>
        %add3A_66 = arith.constant 79 : i32
        %add3A_67 = arith.addi %add3A_66, %scan3A_57 : i32
        %swap3A = arith.index_cast %add3A_67 : i32 to index
        %swap3A_68 = arith.constant 0 : index
        %swap3A_69 = tpu.vector_load %arg7[%swap3A, %swap3A_68] {strides = array<i32>} : memref<2528x16xf32, #tpu.memory_space<vmem>>, vector<16xf32>,
        tpu.vector_store %arg7[%swap3A, %swap3A_68], %add3A_65 {strides = array<i32>} : memref<2528x16xf32, #tpu.memory_space<vmem>>, vector<16xf32>,
      }
      %scan3A_56 = arith.constant 79 : i32
    }
    %scan3A_25 = arith.constant 16 : i32
    %mul3A_26 = arith.constant 79 : i32
    %mul3A_27 = arith.muli %arg1, %mul3A_26 : i32
    %add3A_28 = arith.constant 0 : i32
    %add3A_29 = arith.addi %add3A_28, %mul3A_27 : i32
    "tpu.region"() ({
      %run_scoped3A = tpu.sem_alloc : memref<!tpu.dma_semaphore, #tpu.memory_space<semaphore_mem>>
      %dma_start3A = arith.constant 79 : i32
      %dma_start3A_48 = arith.constant 0 : i32
      %dma_start3A_49 = tpu.memref_slice %arg7[%dma_start3A, %dma_start3A_48] : memref<2528x16xf32, #tpu.memory_space<vmem>> -> memref<79x16xf32, #tpu.memory_space<vmem>>
      %dma_start3A_50 = arith.constant 0 : i32
      %dma_start3A_51 = tpu.memref_slice %arg4[%arg0, %add3A_29, %dma_start3A_50] : memref<2x2528x16xf32, #tpu.memory_space<hbm>> -> memref<1x79x16xf32, #tpu.memory_space<hbm>>
      %dma_start3A_52 = tpu.memref_squeeze %dma_start3A_51 : memref<1x79x16xf32, #tpu.memory_space<hbm>> -> memref<79x16xf32, #tpu.memory_space<hbm>>
      %dma_start3A_53 = arith.constant 0 : i32
      %dma_start3A_54 = tpu.memref_slice %arg4[%arg0, %add3A_29, %dma_start3A_53] : memref<2x2528x16xf32, #tpu.memory_space<hbm>> -> memref<1x79x16xf32, #tpu.memory_space<hbm>>
      %dma_start3A_55 = tpu.memref_squeeze %dma_start3A_54 : memref<1x79x16xf32, #tpu.memory_space<hbm>> -> memref<79x16xf32, #tpu.memory_space<hbm>>
      %dma_start3A_56 = arith.constant 79 : i32
      %dma_start3A_57 = arith.constant 0 : i32
      %dma_start3A_58 = tpu.memref_slice %arg7[%dma_start3A_56, %dma_start3A_57] : memref<2528x16xf32, #tpu.memory_space<vmem>> -> memref<79x16xf32, #tpu.memory_space<vmem>>
      tpu.enqueue_dma source(%dma_start3A_58 : memref<79x16xf32, #tpu.memory_space<vmem>>) target(%dma_start3A_55 : memref<79x16xf32, #tpu.memory_space<hbm>>) target_semaphore(%run_scoped3A : memref<!tpu.dma_semaphore, #tpu.memory_space<semaphore_mem>>)
      %dma_wait3A = arith.constant 79 : i32
      %dma_wait3A_59 = arith.constant 0 : i32
      %dma_wait3A_60 = tpu.memref_slice %arg7[%dma_wait3A, %dma_wait3A_59] : memref<2528x16xf32, #tpu.memory_space<vmem>> -> memref<79x16xf32, #tpu.memory_space<vmem>>
      %dma_wait3A_61 = arith.constant 0 : i32
      %dma_wait3A_62 = tpu.memref_slice %arg4[%arg0, %add3A_29, %dma_wait3A_61] : memref<2x2528x16xf32, #tpu.memory_space<hbm>> -> memref<1x79x16xf32, #tpu.memory_space<hbm>>
      %dma_wait3A_63 = tpu.memref_squeeze %dma_wait3A_62 : memref<1x79x16xf32, #tpu.memory_space<hbm>> -> memref<79x16xf32, #tpu.memory_space<hbm>>
      %dma_wait3A_64 = arith.constant 0 : i32
      %dma_wait3A_65 = tpu.memref_slice %arg4[%arg0, %add3A_29, %dma_wait3A_64] : memref<2x2528x16xf32, #tpu.memory_space<hbm>> -> memref<1x79x16xf32, #tpu.memory_space<hbm>>
      %dma_wait3A_66 = tpu.memref_squeeze %dma_wait3A_65 : memref<1x79x16xf32, #tpu.memory_space<hbm>> -> memref<79x16xf32, #tpu.memory_space<hbm>>
      %dma_wait3A_67 = arith.constant 79 : i32
      %dma_wait3A_68 = arith.constant 0 : i32
      %dma_wait3A_69 = tpu.memref_slice %arg7[%dma_wait3A_67, %dma_wait3A_68] : memref<2528x16xf32, #tpu.memory_space<vmem>> -> memref<79x16xf32, #tpu.memory_space<vmem>>
      tpu.wait_dma2 semaphore(%run_scoped3A : memref<!tpu.dma_semaphore, #tpu.memory_space<semaphore_mem>>) src(%dma_wait3A_69 : memref<79x16xf32, #tpu.memory_space<vmem>>) dst(%dma_wait3A_66 : memref<79x16xf32, #tpu.memory_space<hbm>>)
      tpu.yield
    }) : () -> ()
    %barrier3A_30 = arith.constant 0 : index
    tpu.barrier barrier_id(%barrier3A_30)
    "tpu.region"() ({
      %run_scoped3A = tpu.sem_alloc : memref<!tpu.dma_semaphore, #tpu.memory_space<semaphore_mem>>
      %dma_start3A = arith.constant 1264 : i32
      %dma_start3A_48 = arith.constant 0 : i32
      %dma_start3A_49 = tpu.memref_slice %arg7[%dma_start3A, %dma_start3A_48] : memref<2528x16xf32, #tpu.memory_space<vmem>> -> memref<1264x16xf32, #tpu.memory_space<vmem>>
      %dma_start3A_50 = arith.constant 0 : i32
      %dma_start3A_51 = arith.constant 0 : i32
      %dma_start3A_52 = tpu.memref_slice %arg8[%arg1, %dma_start3A_50, %dma_start3A_51] : memref<16x1264x16xf32, #tpu.memory_space<vmem_shared>> -> memref<1x1264x16xf32, #tpu.memory_space<vmem_shared>>
      %dma_start3A_53 = tpu.memref_squeeze %dma_start3A_52 : memref<1x1264x16xf32, #tpu.memory_space<vmem_shared>> -> memref<1264x16xf32, #tpu.memory_space<vmem_shared>>
      %dma_start3A_54 = arith.constant 0 : i32
      %dma_start3A_55 = arith.constant 0 : i32
      %dma_start3A_56 = tpu.memref_slice %arg8[%arg1, %dma_start3A_54, %dma_start3A_55] : memref<16x1264x16xf32, #tpu.memory_space<vmem_shared>> -> memref<1x1264x16xf32, #tpu.memory_space<vmem_shared>>
      %dma_start3A_57 = tpu.memref_squeeze %dma_start3A_56 : memref<1x1264x16xf32, #tpu.memory_space<vmem_shared>> -> memref<1264x16xf32, #tpu.memory_space<vmem_shared>>
      %dma_start3A_58 = arith.constant 1264 : i32
      %dma_start3A_59 = arith.constant 0 : i32
      %dma_start3A_60 = tpu.memref_slice %arg7[%dma_start3A_58, %dma_start3A_59] : memref<2528x16xf32, #tpu.memory_space<vmem>> -> memref<1264x16xf32, #tpu.memory_space<vmem>>
      tpu.enqueue_dma source(%dma_start3A_60 : memref<1264x16xf32, #tpu.memory_space<vmem>>) target(%dma_start3A_57 : memref<1264x16xf32, #tpu.memory_space<vmem_shared>>) target_semaphore(%run_scoped3A : memref<!tpu.dma_semaphore, #tpu.memory_space<semaphore_mem>>)
      %dma_wait3A = arith.constant 1264 : i32
      %dma_wait3A_61 = arith.constant 0 : i32
      %dma_wait3A_62 = tpu.memref_slice %arg7[%dma_wait3A, %dma_wait3A_61] : memref<2528x16xf32, #tpu.memory_space<vmem>> -> memref<1264x16xf32, #tpu.memory_space<vmem>>
      %dma_wait3A_63 = arith.constant 0 : i32
      %dma_wait3A_64 = arith.constant 0 : i32
      %dma_wait3A_65 = tpu.memref_slice %arg8[%arg1, %dma_wait3A_63, %dma_wait3A_64] : memref<16x1264x16xf32, #tpu.memory_space<vmem_shared>> -> memref<1x1264x16xf32, #tpu.memory_space<vmem_shared>>
      %dma_wait3A_66 = tpu.memref_squeeze %dma_wait3A_65 : memref<1x1264x16xf32, #tpu.memory_space<vmem_shared>> -> memref<1264x16xf32, #tpu.memory_space<vmem_shared>>
      %dma_wait3A_67 = arith.constant 0 : i32
      %dma_wait3A_68 = arith.constant 0 : i32
      %dma_wait3A_69 = tpu.memref_slice %arg8[%arg1, %dma_wait3A_67, %dma_wait3A_68] : memref<16x1264x16xf32, #tpu.memory_space<vmem_shared>> -> memref<1x1264x16xf32, #tpu.memory_space<vmem_shared>>
      %dma_wait3A_70 = tpu.memref_squeeze %dma_wait3A_69 : memref<1x1264x16xf32, #tpu.memory_space<vmem_shared>> -> memref<1264x16xf32, #tpu.memory_space<vmem_shared>>
      %dma_wait3A_71 = arith.constant 1264 : i32
      %dma_wait3A_72 = arith.constant 0 : i32
      %dma_wait3A_73 = tpu.memref_slice %arg7[%dma_wait3A_71, %dma_wait3A_72] : memref<2528x16xf32, #tpu.memory_space<vmem>> -> memref<1264x16xf32, #tpu.memory_space<vmem>>
      tpu.wait_dma2 semaphore(%run_scoped3A : memref<!tpu.dma_semaphore, #tpu.memory_space<semaphore_mem>>) src(%dma_wait3A_73 : memref<1264x16xf32, #tpu.memory_space<vmem>>) dst(%dma_wait3A_70 : memref<1264x16xf32, #tpu.memory_space<vmem_shared>>)
      tpu.yield
    }) : () -> ()
    %barrier3A_31 = arith.constant 0 : index
    tpu.barrier barrier_id(%barrier3A_31)
    %scan3A_32 = arith.constant 0 : i32
    %scan3A_33 = arith.constant 0 : i32
    %scan3A_34 = arith.constant 79 : i32
    %scan3A_35 = arith.addi %scan3A_33, %scan3A_34 : i32
    %scan3A_36 = arith.constant 1 : i32
    scf.for %scan3A_48 = %scan3A_33 to %scan3A_35 step %scan3A_36  : i32 {
      %add3A_49 = arith.constant 79 : i32
      %add3A_50 = arith.addi %add3A_49, %scan3A_48 : i32
      %swap3A = arith.index_cast %add3A_50 : i32 to index
      %swap3A_51 = arith.constant 0 : index
      %swap3A_52 = tpu.vector_load %arg7[%swap3A, %swap3A_51] {strides = array<i32>} : memref<2528x16xf32, #tpu.memory_space<vmem>>, vector<16xf32>,
      tpu.vector_store %arg7[%swap3A, %swap3A_51], %broadcast_in_dim3A_1 {strides = array<i32>} : memref<2528x16xf32, #tpu.memory_space<vmem>>, vector<16xf32>,
    }
    %scan3A_37 = arith.constant 79 : i32
    %scan3A_38 = arith.constant 0 : i32
    %scan3A_39 = arith.constant 0 : i32
    %scan3A_40 = arith.constant 16 : i32
    %scan3A_41 = arith.addi %scan3A_39, %scan3A_40 : i32
    %scan3A_42 = arith.constant 1 : i32
    scf.for %scan3A_48 = %scan3A_39 to %scan3A_41 step %scan3A_42  : i32 {
      %mul3A_49 = arith.constant 79 : i32
      %mul3A_50 = arith.muli %arg1, %mul3A_49 : i32
      "tpu.region"() ({
        %run_scoped3A = tpu.sem_alloc : memref<!tpu.dma_semaphore, #tpu.memory_space<semaphore_mem>>
        %dma_start3A = arith.constant 0 : i32
        %dma_start3A_57 = arith.constant 0 : i32
        %dma_start3A_58 = tpu.memref_slice %arg7[%dma_start3A, %dma_start3A_57] : memref<2528x16xf32, #tpu.memory_space<vmem>> -> memref<79x16xf32, #tpu.memory_space<vmem>>
        %dma_start3A_59 = arith.constant 0 : i32
        %dma_start3A_60 = tpu.memref_slice %arg8[%scan3A_48, %mul3A_50, %dma_start3A_59] : memref<16x1264x16xf32, #tpu.memory_space<vmem_shared>> -> memref<1x79x16xf32, #tpu.memory_space<vmem_shared>>
        %dma_start3A_61 = tpu.memref_squeeze %dma_start3A_60 : memref<1x79x16xf32, #tpu.memory_space<vmem_shared>> -> memref<79x16xf32, #tpu.memory_space<vmem_shared>>
        %dma_start3A_62 = arith.constant 0 : i32
        %dma_start3A_63 = arith.constant 0 : i32
        %dma_start3A_64 = tpu.memref_slice %arg7[%dma_start3A_62, %dma_start3A_63] : memref<2528x16xf32, #tpu.memory_space<vmem>> -> memref<79x16xf32, #tpu.memory_space<vmem>>
        %dma_start3A_65 = arith.constant 0 : i32
        %dma_start3A_66 = tpu.memref_slice %arg8[%scan3A_48, %mul3A_50, %dma_start3A_65] : memref<16x1264x16xf32, #tpu.memory_space<vmem_shared>> -> memref<1x79x16xf32, #tpu.memory_space<vmem_shared>>
        %dma_start3A_67 = tpu.memref_squeeze %dma_start3A_66 : memref<1x79x16xf32, #tpu.memory_space<vmem_shared>> -> memref<79x16xf32, #tpu.memory_space<vmem_shared>>
        tpu.enqueue_dma source(%dma_start3A_67 : memref<79x16xf32, #tpu.memory_space<vmem_shared>>) target(%dma_start3A_64 : memref<79x16xf32, #tpu.memory_space<vmem>>) target_semaphore(%run_scoped3A : memref<!tpu.dma_semaphore, #tpu.memory_space<semaphore_mem>>)
        %dma_wait3A = arith.constant 0 : i32
        %dma_wait3A_68 = arith.constant 0 : i32
        %dma_wait3A_69 = tpu.memref_slice %arg7[%dma_wait3A, %dma_wait3A_68] : memref<2528x16xf32, #tpu.memory_space<vmem>> -> memref<79x16xf32, #tpu.memory_space<vmem>>
        %dma_wait3A_70 = arith.constant 0 : i32
        %dma_wait3A_71 = tpu.memref_slice %arg8[%scan3A_48, %mul3A_50, %dma_wait3A_70] : memref<16x1264x16xf32, #tpu.memory_space<vmem_shared>> -> memref<1x79x16xf32, #tpu.memory_space<vmem_shared>>
        %dma_wait3A_72 = tpu.memref_squeeze %dma_wait3A_71 : memref<1x79x16xf32, #tpu.memory_space<vmem_shared>> -> memref<79x16xf32, #tpu.memory_space<vmem_shared>>
        %dma_wait3A_73 = arith.constant 0 : i32
        %dma_wait3A_74 = arith.constant 0 : i32
        %dma_wait3A_75 = tpu.memref_slice %arg7[%dma_wait3A_73, %dma_wait3A_74] : memref<2528x16xf32, #tpu.memory_space<vmem>> -> memref<79x16xf32, #tpu.memory_space<vmem>>
        %dma_wait3A_76 = arith.constant 0 : i32
        %dma_wait3A_77 = tpu.memref_slice %arg8[%scan3A_48, %mul3A_50, %dma_wait3A_76] : memref<16x1264x16xf32, #tpu.memory_space<vmem_shared>> -> memref<1x79x16xf32, #tpu.memory_space<vmem_shared>>
        %dma_wait3A_78 = tpu.memref_squeeze %dma_wait3A_77 : memref<1x79x16xf32, #tpu.memory_space<vmem_shared>> -> memref<79x16xf32, #tpu.memory_space<vmem_shared>>
        tpu.wait_dma2 semaphore(%run_scoped3A : memref<!tpu.dma_semaphore, #tpu.memory_space<semaphore_mem>>) src(%dma_wait3A_78 : memref<79x16xf32, #tpu.memory_space<vmem_shared>>) dst(%dma_wait3A_75 : memref<79x16xf32, #tpu.memory_space<vmem>>)
        tpu.yield
      }) : () -> ()
      %scan3A_51 = arith.constant 0 : i32
      %scan3A_52 = arith.constant 0 : i32
      %scan3A_53 = arith.constant 79 : i32
      %scan3A_54 = arith.addi %scan3A_52, %scan3A_53 : i32
      %scan3A_55 = arith.constant 1 : i32
      scf.for %scan3A_57 = %scan3A_52 to %scan3A_54 step %scan3A_55  : i32 {
        %add3A_58 = arith.constant 79 : i32
        %add3A_59 = arith.addi %add3A_58, %scan3A_57 : i32
        %get3A = arith.index_cast %add3A_59 : i32 to index
        %get3A_60 = arith.constant 0 : index
        %get3A_61 = tpu.vector_load %arg7[%get3A, %get3A_60] {strides = array<i32>} : memref<2528x16xf32, #tpu.memory_space<vmem>>, vector<16xf32>,
        %get3A_62 = arith.index_cast %scan3A_57 : i32 to index
        %get3A_63 = arith.constant 0 : index
        %get3A_64 = tpu.vector_load %arg7[%get3A_62, %get3A_63] {strides = array<i32>} : memref<2528x16xf32, #tpu.memory_space<vmem>>, vector<16xf32>,
        %add3A_65 = arith.addf %get3A_61, %get3A_64 : vector<16xf32>
        %add3A_66 = arith.constant 79 : i32
        %add3A_67 = arith.addi %add3A_66, %scan3A_57 : i32
        %swap3A = arith.index_cast %add3A_67 : i32 to index
        %swap3A_68 = arith.constant 0 : index
        %swap3A_69 = tpu.vector_load %arg7[%swap3A, %swap3A_68] {strides = array<i32>} : memref<2528x16xf32, #tpu.memory_space<vmem>>, vector<16xf32>,
        tpu.vector_store %arg7[%swap3A, %swap3A_68], %add3A_65 {strides = array<i32>} : memref<2528x16xf32, #tpu.memory_space<vmem>>, vector<16xf32>,
      }
      %scan3A_56 = arith.constant 79 : i32
    }
    %scan3A_43 = arith.constant 16 : i32
    %mul3A_44 = arith.constant 79 : i32
    %mul3A_45 = arith.muli %arg1, %mul3A_44 : i32
    %add3A_46 = arith.constant 1264 : i32
    %add3A_47 = arith.addi %add3A_46, %mul3A_45 : i32
    "tpu.region"() ({
      %run_scoped3A = tpu.sem_alloc : memref<!tpu.dma_semaphore, #tpu.memory_space<semaphore_mem>>
      %dma_start3A = arith.constant 79 : i32
      %dma_start3A_48 = arith.constant 0 : i32
      %dma_start3A_49 = tpu.memref_slice %arg7[%dma_start3A, %dma_start3A_48] : memref<2528x16xf32, #tpu.memory_space<vmem>> -> memref<79x16xf32, #tpu.memory_space<vmem>>
      %dma_start3A_50 = arith.constant 0 : i32
      %dma_start3A_51 = tpu.memref_slice %arg4[%arg0, %add3A_47, %dma_start3A_50] : memref<2x2528x16xf32, #tpu.memory_space<hbm>> -> memref<1x79x16xf32, #tpu.memory_space<hbm>>
      %dma_start3A_52 = tpu.memref_squeeze %dma_start3A_51 : memref<1x79x16xf32, #tpu.memory_space<hbm>> -> memref<79x16xf32, #tpu.memory_space<hbm>>
      %dma_start3A_53 = arith.constant 0 : i32
      %dma_start3A_54 = tpu.memref_slice %arg4[%arg0, %add3A_47, %dma_start3A_53] : memref<2x2528x16xf32, #tpu.memory_space<hbm>> -> memref<1x79x16xf32, #tpu.memory_space<hbm>>
      %dma_start3A_55 = tpu.memref_squeeze %dma_start3A_54 : memref<1x79x16xf32, #tpu.memory_space<hbm>> -> memref<79x16xf32, #tpu.memory_space<hbm>>
      %dma_start3A_56 = arith.constant 79 : i32
      %dma_start3A_57 = arith.constant 0 : i32
      %dma_start3A_58 = tpu.memref_slice %arg7[%dma_start3A_56, %dma_start3A_57] : memref<2528x16xf32, #tpu.memory_space<vmem>> -> memref<79x16xf32, #tpu.memory_space<vmem>>
      tpu.enqueue_dma source(%dma_start3A_58 : memref<79x16xf32, #tpu.memory_space<vmem>>) target(%dma_start3A_55 : memref<79x16xf32, #tpu.memory_space<hbm>>) target_semaphore(%run_scoped3A : memref<!tpu.dma_semaphore, #tpu.memory_space<semaphore_mem>>)
      %dma_wait3A = arith.constant 79 : i32
      %dma_wait3A_59 = arith.constant 0 : i32
      %dma_wait3A_60 = tpu.memref_slice %arg7[%dma_wait3A, %dma_wait3A_59] : memref<2528x16xf32, #tpu.memory_space<vmem>> -> memref<79x16xf32, #tpu.memory_space<vmem>>
      %dma_wait3A_61 = arith.constant 0 : i32
      %dma_wait3A_62 = tpu.memref_slice %arg4[%arg0, %add3A_47, %dma_wait3A_61] : memref<2x2528x16xf32, #tpu.memory_space<hbm>> -> memref<1x79x16xf32, #tpu.memory_space<hbm>>
      %dma_wait3A_63 = tpu.memref_squeeze %dma_wait3A_62 : memref<1x79x16xf32, #tpu.memory_space<hbm>> -> memref<79x16xf32, #tpu.memory_space<hbm>>
      %dma_wait3A_64 = arith.constant 0 : i32
      %dma_wait3A_65 = tpu.memref_slice %arg4[%arg0, %add3A_47, %dma_wait3A_64] : memref<2x2528x16xf32, #tpu.memory_space<hbm>> -> memref<1x79x16xf32, #tpu.memory_space<hbm>>
      %dma_wait3A_66 = tpu.memref_squeeze %dma_wait3A_65 : memref<1x79x16xf32, #tpu.memory_space<hbm>> -> memref<79x16xf32, #tpu.memory_space<hbm>>
      %dma_wait3A_67 = arith.constant 79 : i32
      %dma_wait3A_68 = arith.constant 0 : i32
      %dma_wait3A_69 = tpu.memref_slice %arg7[%dma_wait3A_67, %dma_wait3A_68] : memref<2528x16xf32, #tpu.memory_space<vmem>> -> memref<79x16xf32, #tpu.memory_space<vmem>>
      tpu.wait_dma2 semaphore(%run_scoped3A : memref<!tpu.dma_semaphore, #tpu.memory_space<semaphore_mem>>) src(%dma_wait3A_69 : memref<79x16xf32, #tpu.memory_space<vmem>>) dst(%dma_wait3A_66 : memref<79x16xf32, #tpu.memory_space<hbm>>)
      tpu.yield
    }) : () -> ()
    return
  }
}

#map = affine_map<(d0, d1) -> (0, 0)>
#map1 = affine_map<(d0, d1) -> (0, 0, 0)>
module attributes {stable_mosaic.version = 14 : i64} {
  func.func @_attn_body(%arg0: i32, %arg1: i32, %arg2: memref<32x10000xi32, #tpu.memory_space<hbm>>, %arg3: memref<4x32x10000xf32, #tpu.memory_space<hbm>>, %arg4: memref<2x2528x16xf32, #tpu.memory_space<hbm>>, %arg5: memref<4x32x10000xf32, #tpu.memory_space<hbm>>, %arg6: memref<10000xi32, #tpu.memory_space<vmem>>, %arg7: memref<4x10000xf32, #tpu.memory_space<vmem>>, %arg8: memref<2528x16xf32, #tpu.memory_space<vmem>>, %arg9: memref<158x16xf32, #tpu.memory_space<vmem>>) attributes {dimension_semantics = [#tpu.dimension_semantics<core_parallel>, #tpu.dimension_semantics<subcore_parallel>], iteration_bounds = array<i64: 2, 16>, scalar_prefetch = 0 : i64, scratch_operands = 4 : i64, tpu.core_type = #tpu.core_type<sc_vector_subcore>, window_params = [{transform_indices = #map}, {transform_indices = #map1}, {transform_indices = #map1}, {transform_indices = #map1}]} {
    %mul3A = arith.constant 16 : i32
    %mul3A_0 = arith.muli %arg0, %mul3A : i32
    %add3A = arith.addi %mul3A_0, %arg1 : i32
    %run_scoped3A = arith.constant 0 : i32
    "tpu.region"() ({
      %run_scoped3A_12 = tpu.sem_alloc : memref<!tpu.dma_semaphore, #tpu.memory_space<semaphore_mem>>
      %dma_start3A = arith.constant 0 : i32
      %dma_start3A_13 = arith.constant 0 : i32
      %dma_start3A_14 = tpu.memref_slice %arg4[%run_scoped3A, %dma_start3A, %dma_start3A_13] : memref<2x2528x16xf32, #tpu.memory_space<hbm>> -> memref<1x2528x16xf32, #tpu.memory_space<hbm>>
      %dma_start3A_15 = tpu.memref_squeeze %dma_start3A_14 : memref<1x2528x16xf32, #tpu.memory_space<hbm>> -> memref<2528x16xf32, #tpu.memory_space<hbm>>
      %dma_start3A_16 = arith.constant 0 : i32
      %dma_start3A_17 = arith.constant 0 : i32
      %dma_start3A_18 = tpu.memref_slice %arg4[%run_scoped3A, %dma_start3A_16, %dma_start3A_17] : memref<2x2528x16xf32, #tpu.memory_space<hbm>> -> memref<1x2528x16xf32, #tpu.memory_space<hbm>>
      %dma_start3A_19 = tpu.memref_squeeze %dma_start3A_18 : memref<1x2528x16xf32, #tpu.memory_space<hbm>> -> memref<2528x16xf32, #tpu.memory_space<hbm>>
      tpu.enqueue_dma source(%dma_start3A_19 : memref<2528x16xf32, #tpu.memory_space<hbm>>) target(%arg8 : memref<2528x16xf32, #tpu.memory_space<vmem>>) target_semaphore(%run_scoped3A_12 : memref<!tpu.dma_semaphore, #tpu.memory_space<semaphore_mem>>)
      %dma_wait3A = arith.constant 0 : i32
      %dma_wait3A_20 = arith.constant 0 : i32
      %dma_wait3A_21 = tpu.memref_slice %arg4[%run_scoped3A, %dma_wait3A, %dma_wait3A_20] : memref<2x2528x16xf32, #tpu.memory_space<hbm>> -> memref<1x2528x16xf32, #tpu.memory_space<hbm>>
      %dma_wait3A_22 = tpu.memref_squeeze %dma_wait3A_21 : memref<1x2528x16xf32, #tpu.memory_space<hbm>> -> memref<2528x16xf32, #tpu.memory_space<hbm>>
      %dma_wait3A_23 = arith.constant 0 : i32
      %dma_wait3A_24 = arith.constant 0 : i32
      %dma_wait3A_25 = tpu.memref_slice %arg4[%run_scoped3A, %dma_wait3A_23, %dma_wait3A_24] : memref<2x2528x16xf32, #tpu.memory_space<hbm>> -> memref<1x2528x16xf32, #tpu.memory_space<hbm>>
      %dma_wait3A_26 = tpu.memref_squeeze %dma_wait3A_25 : memref<1x2528x16xf32, #tpu.memory_space<hbm>> -> memref<2528x16xf32, #tpu.memory_space<hbm>>
      tpu.wait_dma2 semaphore(%run_scoped3A_12 : memref<!tpu.dma_semaphore, #tpu.memory_space<semaphore_mem>>) src(%dma_wait3A_26 : memref<2528x16xf32, #tpu.memory_space<hbm>>) dst(%arg8 : memref<2528x16xf32, #tpu.memory_space<vmem>>)
      tpu.yield
    }) : () -> ()
    %scan3A = arith.constant 0 : i32
    %scan3A_1 = arith.constant 0 : i32
    %scan3A_2 = arith.constant 16 : i32
    %scan3A_3 = arith.addi %scan3A_1, %scan3A_2 : i32
    %scan3A_4 = arith.constant 1 : i32
    scf.for %scan3A_12 = %scan3A_1 to %scan3A_3 step %scan3A_4  : i32 {
      %mul3A_13 = arith.constant 158 : i32
      %mul3A_14 = arith.muli %scan3A_12, %mul3A_13 : i32
      %run_scoped3A_15 = arith.constant 1 : i32
      "tpu.region"() ({
        %run_scoped3A_22 = tpu.sem_alloc : memref<!tpu.dma_semaphore, #tpu.memory_space<semaphore_mem>>
        %dma_start3A = arith.constant 0 : i32
        %dma_start3A_23 = tpu.memref_slice %arg4[%run_scoped3A_15, %mul3A_14, %dma_start3A] : memref<2x2528x16xf32, #tpu.memory_space<hbm>> -> memref<1x158x16xf32, #tpu.memory_space<hbm>>
        %dma_start3A_24 = tpu.memref_squeeze %dma_start3A_23 : memref<1x158x16xf32, #tpu.memory_space<hbm>> -> memref<158x16xf32, #tpu.memory_space<hbm>>
        %dma_start3A_25 = arith.constant 0 : i32
        %dma_start3A_26 = tpu.memref_slice %arg4[%run_scoped3A_15, %mul3A_14, %dma_start3A_25] : memref<2x2528x16xf32, #tpu.memory_space<hbm>> -> memref<1x158x16xf32, #tpu.memory_space<hbm>>
        %dma_start3A_27 = tpu.memref_squeeze %dma_start3A_26 : memref<1x158x16xf32, #tpu.memory_space<hbm>> -> memref<158x16xf32, #tpu.memory_space<hbm>>
        tpu.enqueue_dma source(%dma_start3A_27 : memref<158x16xf32, #tpu.memory_space<hbm>>) target(%arg9 : memref<158x16xf32, #tpu.memory_space<vmem>>) target_semaphore(%run_scoped3A_22 : memref<!tpu.dma_semaphore, #tpu.memory_space<semaphore_mem>>)
        %dma_wait3A = arith.constant 0 : i32
        %dma_wait3A_28 = tpu.memref_slice %arg4[%run_scoped3A_15, %mul3A_14, %dma_wait3A] : memref<2x2528x16xf32, #tpu.memory_space<hbm>> -> memref<1x158x16xf32, #tpu.memory_space<hbm>>
        %dma_wait3A_29 = tpu.memref_squeeze %dma_wait3A_28 : memref<1x158x16xf32, #tpu.memory_space<hbm>> -> memref<158x16xf32, #tpu.memory_space<hbm>>
        %dma_wait3A_30 = arith.constant 0 : i32
        %dma_wait3A_31 = tpu.memref_slice %arg4[%run_scoped3A_15, %mul3A_14, %dma_wait3A_30] : memref<2x2528x16xf32, #tpu.memory_space<hbm>> -> memref<1x158x16xf32, #tpu.memory_space<hbm>>
        %dma_wait3A_32 = tpu.memref_squeeze %dma_wait3A_31 : memref<1x158x16xf32, #tpu.memory_space<hbm>> -> memref<158x16xf32, #tpu.memory_space<hbm>>
        tpu.wait_dma2 semaphore(%run_scoped3A_22 : memref<!tpu.dma_semaphore, #tpu.memory_space<semaphore_mem>>) src(%dma_wait3A_32 : memref<158x16xf32, #tpu.memory_space<hbm>>) dst(%arg9 : memref<158x16xf32, #tpu.memory_space<vmem>>)
        tpu.yield
      }) : () -> ()
      %scan3A_16 = arith.constant 0 : i32
      %scan3A_17 = arith.constant 0 : i32
      %scan3A_18 = arith.constant 158 : i32
      %scan3A_19 = arith.addi %scan3A_17, %scan3A_18 : i32
      %scan3A_20 = arith.constant 1 : i32
      scf.for %scan3A_22 = %scan3A_17 to %scan3A_19 step %scan3A_20  : i32 {
        %mul3A_23 = arith.constant 158 : i32
        %mul3A_24 = arith.muli %scan3A_12, %mul3A_23 : i32
        %add3A_25 = arith.addi %mul3A_24, %scan3A_22 : i32
        %get3A = arith.index_cast %add3A_25 : i32 to index
        %get3A_26 = arith.constant 0 : index
        %get3A_27 = tpu.vector_load %arg8[%get3A, %get3A_26] {strides = array<i32>} : memref<2528x16xf32, #tpu.memory_space<vmem>>, vector<16xf32>,
        %get3A_28 = arith.index_cast %scan3A_22 : i32 to index
        %get3A_29 = arith.constant 0 : index
        %get3A_30 = tpu.vector_load %arg9[%get3A_28, %get3A_29] {strides = array<i32>} : memref<158x16xf32, #tpu.memory_space<vmem>>, vector<16xf32>,
        %add3A_31 = arith.addf %get3A_27, %get3A_30 : vector<16xf32>
        %mul3A_32 = arith.constant 158 : i32
        %mul3A_33 = arith.muli %scan3A_12, %mul3A_32 : i32
        %add3A_34 = arith.addi %mul3A_33, %scan3A_22 : i32
        %swap3A = arith.index_cast %add3A_34 : i32 to index
        %swap3A_35 = arith.constant 0 : index
        %swap3A_36 = tpu.vector_load %arg8[%swap3A, %swap3A_35] {strides = array<i32>} : memref<2528x16xf32, #tpu.memory_space<vmem>>, vector<16xf32>,
        tpu.vector_store %arg8[%swap3A, %swap3A_35], %add3A_31 {strides = array<i32>} : memref<2528x16xf32, #tpu.memory_space<vmem>>, vector<16xf32>,
      }
      %scan3A_21 = arith.constant 158 : i32
    }
    %scan3A_5 = arith.constant 16 : i32
    "tpu.region"() ({
      %run_scoped3A_12 = tpu.sem_alloc : memref<!tpu.dma_semaphore, #tpu.memory_space<semaphore_mem>>
      %dma_start3A = arith.constant 0 : i32
      %dma_start3A_13 = tpu.memref_slice %arg2[%add3A, %dma_start3A] : memref<32x10000xi32, #tpu.memory_space<hbm>> -> memref<1x10000xi32, #tpu.memory_space<hbm>>
      %dma_start3A_14 = tpu.memref_squeeze %dma_start3A_13 : memref<1x10000xi32, #tpu.memory_space<hbm>> -> memref<10000xi32, #tpu.memory_space<hbm>>
      %dma_start3A_15 = arith.constant 0 : i32
      %dma_start3A_16 = tpu.memref_slice %arg2[%add3A, %dma_start3A_15] : memref<32x10000xi32, #tpu.memory_space<hbm>> -> memref<1x10000xi32, #tpu.memory_space<hbm>>
      %dma_start3A_17 = tpu.memref_squeeze %dma_start3A_16 : memref<1x10000xi32, #tpu.memory_space<hbm>> -> memref<10000xi32, #tpu.memory_space<hbm>>
      tpu.enqueue_dma source(%dma_start3A_17 : memref<10000xi32, #tpu.memory_space<hbm>>) target(%arg6 : memref<10000xi32, #tpu.memory_space<vmem>>) target_semaphore(%run_scoped3A_12 : memref<!tpu.dma_semaphore, #tpu.memory_space<semaphore_mem>>)
      %dma_wait3A = arith.constant 0 : i32
      %dma_wait3A_18 = tpu.memref_slice %arg2[%add3A, %dma_wait3A] : memref<32x10000xi32, #tpu.memory_space<hbm>> -> memref<1x10000xi32, #tpu.memory_space<hbm>>
      %dma_wait3A_19 = tpu.memref_squeeze %dma_wait3A_18 : memref<1x10000xi32, #tpu.memory_space<hbm>> -> memref<10000xi32, #tpu.memory_space<hbm>>
      %dma_wait3A_20 = arith.constant 0 : i32
      %dma_wait3A_21 = tpu.memref_slice %arg2[%add3A, %dma_wait3A_20] : memref<32x10000xi32, #tpu.memory_space<hbm>> -> memref<1x10000xi32, #tpu.memory_space<hbm>>
      %dma_wait3A_22 = tpu.memref_squeeze %dma_wait3A_21 : memref<1x10000xi32, #tpu.memory_space<hbm>> -> memref<10000xi32, #tpu.memory_space<hbm>>
      tpu.wait_dma2 semaphore(%run_scoped3A_12 : memref<!tpu.dma_semaphore, #tpu.memory_space<semaphore_mem>>) src(%dma_wait3A_22 : memref<10000xi32, #tpu.memory_space<hbm>>) dst(%arg6 : memref<10000xi32, #tpu.memory_space<vmem>>)
      tpu.yield
    }) : () -> ()
    "tpu.region"() ({
      %run_scoped3A_12 = tpu.sem_alloc : memref<!tpu.dma_semaphore, #tpu.memory_space<semaphore_mem>>
      %dma_start3A = arith.constant 0 : i32
      %dma_start3A_13 = arith.constant 0 : i32
      %dma_start3A_14 = tpu.memref_slice %arg3[%dma_start3A, %add3A, %dma_start3A_13] : memref<4x32x10000xf32, #tpu.memory_space<hbm>> -> memref<4x1x10000xf32, #tpu.memory_space<hbm>>
      %dma_start3A_15 = tpu.memref_squeeze %dma_start3A_14 : memref<4x1x10000xf32, #tpu.memory_space<hbm>> -> memref<4x10000xf32, #tpu.memory_space<hbm>>
      %dma_start3A_16 = arith.constant 0 : i32
      %dma_start3A_17 = arith.constant 0 : i32
      %dma_start3A_18 = tpu.memref_slice %arg3[%dma_start3A_16, %add3A, %dma_start3A_17] : memref<4x32x10000xf32, #tpu.memory_space<hbm>> -> memref<4x1x10000xf32, #tpu.memory_space<hbm>>
      %dma_start3A_19 = tpu.memref_squeeze %dma_start3A_18 : memref<4x1x10000xf32, #tpu.memory_space<hbm>> -> memref<4x10000xf32, #tpu.memory_space<hbm>>
      tpu.enqueue_dma source(%dma_start3A_19 : memref<4x10000xf32, #tpu.memory_space<hbm>>) target(%arg7 : memref<4x10000xf32, #tpu.memory_space<vmem>>) target_semaphore(%run_scoped3A_12 : memref<!tpu.dma_semaphore, #tpu.memory_space<semaphore_mem>>)
      %dma_wait3A = arith.constant 0 : i32
      %dma_wait3A_20 = arith.constant 0 : i32
      %dma_wait3A_21 = tpu.memref_slice %arg3[%dma_wait3A, %add3A, %dma_wait3A_20] : memref<4x32x10000xf32, #tpu.memory_space<hbm>> -> memref<4x1x10000xf32, #tpu.memory_space<hbm>>
      %dma_wait3A_22 = tpu.memref_squeeze %dma_wait3A_21 : memref<4x1x10000xf32, #tpu.memory_space<hbm>> -> memref<4x10000xf32, #tpu.memory_space<hbm>>
      %dma_wait3A_23 = arith.constant 0 : i32
      %dma_wait3A_24 = arith.constant 0 : i32
      %dma_wait3A_25 = tpu.memref_slice %arg3[%dma_wait3A_23, %add3A, %dma_wait3A_24] : memref<4x32x10000xf32, #tpu.memory_space<hbm>> -> memref<4x1x10000xf32, #tpu.memory_space<hbm>>
      %dma_wait3A_26 = tpu.memref_squeeze %dma_wait3A_25 : memref<4x1x10000xf32, #tpu.memory_space<hbm>> -> memref<4x10000xf32, #tpu.memory_space<hbm>>
      tpu.wait_dma2 semaphore(%run_scoped3A_12 : memref<!tpu.dma_semaphore, #tpu.memory_space<semaphore_mem>>) src(%dma_wait3A_26 : memref<4x10000xf32, #tpu.memory_space<hbm>>) dst(%arg7 : memref<4x10000xf32, #tpu.memory_space<vmem>>)
      tpu.yield
    }) : () -> ()
    %scan3A_6 = arith.constant 0 : i32
    %scan3A_7 = arith.constant 0 : i32
    %scan3A_8 = arith.constant 625 : i32
    %scan3A_9 = arith.addi %scan3A_7, %scan3A_8 : i32
    %scan3A_10 = arith.constant 1 : i32
    scf.for %scan3A_12 = %scan3A_7 to %scan3A_9 step %scan3A_10  : i32 {
      %mul3A_13 = arith.constant 16 : i32
      %mul3A_14 = arith.muli %scan3A_12, %mul3A_13 : i32
      %get3A = arith.index_cast %mul3A_14 : i32 to index
      %get3A_15 = tpu.vector_load %arg6[%get3A] {strides = array<i32>} : memref<10000xi32, #tpu.memory_space<vmem>>, vector<16xi32>,
      %mul3A_16 = arith.constant 4 : i32
      %mul3A_17 = vector.broadcast %mul3A_16 : i32 to vector<16xi32>
      %mul3A_18 = arith.muli %get3A_15, %mul3A_17 : vector<16xi32>
      %add3A_19 = arith.constant 0 : i32
      %add3A_20 = vector.broadcast %add3A_19 : i32 to vector<16xi32>
      %add3A_21 = arith.addi %mul3A_18, %add3A_20 : vector<16xi32>
      %shift_right_arithmetic3A = arith.constant 4 : i32
      %shift_right_arithmetic3A_22 = vector.broadcast %shift_right_arithmetic3A : i32 to vector<16xi32>
      %shift_right_arithmetic3A_23 = arith.shrsi %add3A_21, %shift_right_arithmetic3A_22 : vector<16xi32>
      %and3A = arith.constant 15 : i32
      %and3A_24 = vector.broadcast %and3A : i32 to vector<16xi32>
      %and3A_25 = arith.andi %add3A_21, %and3A_24 : vector<16xi32>
      %gather3A = tpu.vector_load_idx %arg8[%shift_right_arithmetic3A_23, %and3A_25] : memref<2528x16xf32, #tpu.memory_space<vmem>>[vector<16xi32>, vector<16xi32>], vector<16xf32>,
      %mul3A_26 = arith.constant 16 : i32
      %mul3A_27 = arith.muli %scan3A_12, %mul3A_26 : i32
      %get3A_28 = arith.constant 0 : i32
      %get3A_29 = arith.index_cast %get3A_28 : i32 to index
      %get3A_30 = arith.index_cast %mul3A_27 : i32 to index
      %get3A_31 = tpu.vector_load %arg7[%get3A_29, %get3A_30] {strides = array<i32>} : memref<4x10000xf32, #tpu.memory_space<vmem>>, vector<16xf32>,
      %add3A_32 = arith.constant 1.000000e-16 : f32
      %add3A_33 = vector.broadcast %add3A_32 : f32 to vector<16xf32>
      %add3A_34 = arith.addf %gather3A, %add3A_33 : vector<16xf32>
      %div3A = arith.divf %get3A_31, %add3A_34 : vector<16xf32>
      %mul3A_35 = arith.constant 16 : i32
      %mul3A_36 = arith.muli %scan3A_12, %mul3A_35 : i32
      %swap3A = arith.constant 0 : i32
      %swap3A_37 = arith.index_cast %swap3A : i32 to index
      %swap3A_38 = arith.index_cast %mul3A_36 : i32 to index
      %swap3A_39 = tpu.vector_load %arg7[%swap3A_37, %swap3A_38] {strides = array<i32>} : memref<4x10000xf32, #tpu.memory_space<vmem>>, vector<16xf32>,
      tpu.vector_store %arg7[%swap3A_37, %swap3A_38], %div3A {strides = array<i32>} : memref<4x10000xf32, #tpu.memory_space<vmem>>, vector<16xf32>,
      %add3A_40 = arith.constant 1 : i32
      %add3A_41 = vector.broadcast %add3A_40 : i32 to vector<16xi32>
      %add3A_42 = arith.addi %mul3A_18, %add3A_41 : vector<16xi32>
      %shift_right_arithmetic3A_43 = arith.constant 4 : i32
      %shift_right_arithmetic3A_44 = vector.broadcast %shift_right_arithmetic3A_43 : i32 to vector<16xi32>
      %shift_right_arithmetic3A_45 = arith.shrsi %add3A_42, %shift_right_arithmetic3A_44 : vector<16xi32>
      %and3A_46 = arith.constant 15 : i32
      %and3A_47 = vector.broadcast %and3A_46 : i32 to vector<16xi32>
      %and3A_48 = arith.andi %add3A_42, %and3A_47 : vector<16xi32>
      %gather3A_49 = tpu.vector_load_idx %arg8[%shift_right_arithmetic3A_45, %and3A_48] : memref<2528x16xf32, #tpu.memory_space<vmem>>[vector<16xi32>, vector<16xi32>], vector<16xf32>,
      %mul3A_50 = arith.constant 16 : i32
      %mul3A_51 = arith.muli %scan3A_12, %mul3A_50 : i32
      %get3A_52 = arith.constant 1 : i32
      %get3A_53 = arith.index_cast %get3A_52 : i32 to index
      %get3A_54 = arith.index_cast %mul3A_51 : i32 to index
      %get3A_55 = tpu.vector_load %arg7[%get3A_53, %get3A_54] {strides = array<i32>} : memref<4x10000xf32, #tpu.memory_space<vmem>>, vector<16xf32>,
      %add3A_56 = arith.constant 1.000000e-16 : f32
      %add3A_57 = vector.broadcast %add3A_56 : f32 to vector<16xf32>
      %add3A_58 = arith.addf %gather3A_49, %add3A_57 : vector<16xf32>
      %div3A_59 = arith.divf %get3A_55, %add3A_58 : vector<16xf32>
      %mul3A_60 = arith.constant 16 : i32
      %mul3A_61 = arith.muli %scan3A_12, %mul3A_60 : i32
      %swap3A_62 = arith.constant 1 : i32
      %swap3A_63 = arith.index_cast %swap3A_62 : i32 to index
      %swap3A_64 = arith.index_cast %mul3A_61 : i32 to index
      %swap3A_65 = tpu.vector_load %arg7[%swap3A_63, %swap3A_64] {strides = array<i32>} : memref<4x10000xf32, #tpu.memory_space<vmem>>, vector<16xf32>,
      tpu.vector_store %arg7[%swap3A_63, %swap3A_64], %div3A_59 {strides = array<i32>} : memref<4x10000xf32, #tpu.memory_space<vmem>>, vector<16xf32>,
      %add3A_66 = arith.constant 2 : i32
      %add3A_67 = vector.broadcast %add3A_66 : i32 to vector<16xi32>
      %add3A_68 = arith.addi %mul3A_18, %add3A_67 : vector<16xi32>
      %shift_right_arithmetic3A_69 = arith.constant 4 : i32
      %shift_right_arithmetic3A_70 = vector.broadcast %shift_right_arithmetic3A_69 : i32 to vector<16xi32>
      %shift_right_arithmetic3A_71 = arith.shrsi %add3A_68, %shift_right_arithmetic3A_70 : vector<16xi32>
      %and3A_72 = arith.constant 15 : i32
      %and3A_73 = vector.broadcast %and3A_72 : i32 to vector<16xi32>
      %and3A_74 = arith.andi %add3A_68, %and3A_73 : vector<16xi32>
      %gather3A_75 = tpu.vector_load_idx %arg8[%shift_right_arithmetic3A_71, %and3A_74] : memref<2528x16xf32, #tpu.memory_space<vmem>>[vector<16xi32>, vector<16xi32>], vector<16xf32>,
      %mul3A_76 = arith.constant 16 : i32
      %mul3A_77 = arith.muli %scan3A_12, %mul3A_76 : i32
      %get3A_78 = arith.constant 2 : i32
      %get3A_79 = arith.index_cast %get3A_78 : i32 to index
      %get3A_80 = arith.index_cast %mul3A_77 : i32 to index
      %get3A_81 = tpu.vector_load %arg7[%get3A_79, %get3A_80] {strides = array<i32>} : memref<4x10000xf32, #tpu.memory_space<vmem>>, vector<16xf32>,
      %add3A_82 = arith.constant 1.000000e-16 : f32
      %add3A_83 = vector.broadcast %add3A_82 : f32 to vector<16xf32>
      %add3A_84 = arith.addf %gather3A_75, %add3A_83 : vector<16xf32>
      %div3A_85 = arith.divf %get3A_81, %add3A_84 : vector<16xf32>
      %mul3A_86 = arith.constant 16 : i32
      %mul3A_87 = arith.muli %scan3A_12, %mul3A_86 : i32
      %swap3A_88 = arith.constant 2 : i32
      %swap3A_89 = arith.index_cast %swap3A_88 : i32 to index
      %swap3A_90 = arith.index_cast %mul3A_87 : i32 to index
      %swap3A_91 = tpu.vector_load %arg7[%swap3A_89, %swap3A_90] {strides = array<i32>} : memref<4x10000xf32, #tpu.memory_space<vmem>>, vector<16xf32>,
      tpu.vector_store %arg7[%swap3A_89, %swap3A_90], %div3A_85 {strides = array<i32>} : memref<4x10000xf32, #tpu.memory_space<vmem>>, vector<16xf32>,
      %add3A_92 = arith.constant 3 : i32
      %add3A_93 = vector.broadcast %add3A_92 : i32 to vector<16xi32>
      %add3A_94 = arith.addi %mul3A_18, %add3A_93 : vector<16xi32>
      %shift_right_arithmetic3A_95 = arith.constant 4 : i32
      %shift_right_arithmetic3A_96 = vector.broadcast %shift_right_arithmetic3A_95 : i32 to vector<16xi32>
      %shift_right_arithmetic3A_97 = arith.shrsi %add3A_94, %shift_right_arithmetic3A_96 : vector<16xi32>
      %and3A_98 = arith.constant 15 : i32
      %and3A_99 = vector.broadcast %and3A_98 : i32 to vector<16xi32>
      %and3A_100 = arith.andi %add3A_94, %and3A_99 : vector<16xi32>
      %gather3A_101 = tpu.vector_load_idx %arg8[%shift_right_arithmetic3A_97, %and3A_100] : memref<2528x16xf32, #tpu.memory_space<vmem>>[vector<16xi32>, vector<16xi32>], vector<16xf32>,
      %mul3A_102 = arith.constant 16 : i32
      %mul3A_103 = arith.muli %scan3A_12, %mul3A_102 : i32
      %get3A_104 = arith.constant 3 : i32
      %get3A_105 = arith.index_cast %get3A_104 : i32 to index
      %get3A_106 = arith.index_cast %mul3A_103 : i32 to index
      %get3A_107 = tpu.vector_load %arg7[%get3A_105, %get3A_106] {strides = array<i32>} : memref<4x10000xf32, #tpu.memory_space<vmem>>, vector<16xf32>,
      %add3A_108 = arith.constant 1.000000e-16 : f32
      %add3A_109 = vector.broadcast %add3A_108 : f32 to vector<16xf32>
      %add3A_110 = arith.addf %gather3A_101, %add3A_109 : vector<16xf32>
      %div3A_111 = arith.divf %get3A_107, %add3A_110 : vector<16xf32>
      %mul3A_112 = arith.constant 16 : i32
      %mul3A_113 = arith.muli %scan3A_12, %mul3A_112 : i32
      %swap3A_114 = arith.constant 3 : i32
      %swap3A_115 = arith.index_cast %swap3A_114 : i32 to index
      %swap3A_116 = arith.index_cast %mul3A_113 : i32 to index
      %swap3A_117 = tpu.vector_load %arg7[%swap3A_115, %swap3A_116] {strides = array<i32>} : memref<4x10000xf32, #tpu.memory_space<vmem>>, vector<16xf32>,
      tpu.vector_store %arg7[%swap3A_115, %swap3A_116], %div3A_111 {strides = array<i32>} : memref<4x10000xf32, #tpu.memory_space<vmem>>, vector<16xf32>,
    }
    %scan3A_11 = arith.constant 625 : i32
    "tpu.region"() ({
      %run_scoped3A_12 = tpu.sem_alloc : memref<!tpu.dma_semaphore, #tpu.memory_space<semaphore_mem>>
      %dma_start3A = arith.constant 0 : i32
      %dma_start3A_13 = arith.constant 0 : i32
      %dma_start3A_14 = tpu.memref_slice %arg5[%dma_start3A, %add3A, %dma_start3A_13] : memref<4x32x10000xf32, #tpu.memory_space<hbm>> -> memref<4x1x10000xf32, #tpu.memory_space<hbm>>
      %dma_start3A_15 = tpu.memref_squeeze %dma_start3A_14 : memref<4x1x10000xf32, #tpu.memory_space<hbm>> -> memref<4x10000xf32, #tpu.memory_space<hbm>>
      %dma_start3A_16 = arith.constant 0 : i32
      %dma_start3A_17 = arith.constant 0 : i32
      %dma_start3A_18 = tpu.memref_slice %arg5[%dma_start3A_16, %add3A, %dma_start3A_17] : memref<4x32x10000xf32, #tpu.memory_space<hbm>> -> memref<4x1x10000xf32, #tpu.memory_space<hbm>>
      %dma_start3A_19 = tpu.memref_squeeze %dma_start3A_18 : memref<4x1x10000xf32, #tpu.memory_space<hbm>> -> memref<4x10000xf32, #tpu.memory_space<hbm>>
      tpu.enqueue_dma source(%arg7 : memref<4x10000xf32, #tpu.memory_space<vmem>>) target(%dma_start3A_19 : memref<4x10000xf32, #tpu.memory_space<hbm>>) target_semaphore(%run_scoped3A_12 : memref<!tpu.dma_semaphore, #tpu.memory_space<semaphore_mem>>)
      %dma_wait3A = arith.constant 0 : i32
      %dma_wait3A_20 = arith.constant 0 : i32
      %dma_wait3A_21 = tpu.memref_slice %arg5[%dma_wait3A, %add3A, %dma_wait3A_20] : memref<4x32x10000xf32, #tpu.memory_space<hbm>> -> memref<4x1x10000xf32, #tpu.memory_space<hbm>>
      %dma_wait3A_22 = tpu.memref_squeeze %dma_wait3A_21 : memref<4x1x10000xf32, #tpu.memory_space<hbm>> -> memref<4x10000xf32, #tpu.memory_space<hbm>>
      %dma_wait3A_23 = arith.constant 0 : i32
      %dma_wait3A_24 = arith.constant 0 : i32
      %dma_wait3A_25 = tpu.memref_slice %arg5[%dma_wait3A_23, %add3A, %dma_wait3A_24] : memref<4x32x10000xf32, #tpu.memory_space<hbm>> -> memref<4x1x10000xf32, #tpu.memory_space<hbm>>
      %dma_wait3A_26 = tpu.memref_squeeze %dma_wait3A_25 : memref<4x1x10000xf32, #tpu.memory_space<hbm>> -> memref<4x10000xf32, #tpu.memory_space<hbm>>
      tpu.wait_dma2 semaphore(%run_scoped3A_12 : memref<!tpu.dma_semaphore, #tpu.memory_space<semaphore_mem>>) src(%arg7 : memref<4x10000xf32, #tpu.memory_space<vmem>>) dst(%dma_wait3A_26 : memref<4x10000xf32, #tpu.memory_space<hbm>>)
      tpu.yield
    }) : () -> ()
    return
  }
}

module attributes {stable_mosaic.version = 14 : i64} {
  func.func @_u_body(%arg0: memref<128x128xf32, #tpu.memory_space<vmem>>, %arg1: memref<128x8xf32, #tpu.memory_space<vmem>>, %arg2: memref<128x8xf32, #tpu.memory_space<vmem>>) attributes {dimension_semantics = [], scalar_prefetch = 0 : i64, scratch_operands = 0 : i64, tpu.core_type = #tpu.core_type<tc>} {
    %get3A = arith.constant 0 : index
    %get3A_0 = arith.constant 0 : index
    %get3A_1 = vector.load %arg0[%get3A, %get3A_0] : memref<128x128xf32, #tpu.memory_space<vmem>>, vector<128x128xf32>
    %get3A_2 = arith.constant 0 : index
    %get3A_3 = arith.constant 0 : index
    %get3A_4 = vector.load %arg1[%get3A_2, %get3A_3] : memref<128x8xf32, #tpu.memory_space<vmem>>, vector<128x8xf32>
    %dot_general3A = arith.constant dense<0.000000e+00> : vector<128x8xf32>
    %dot_general3A_5 = tpu.matmul %get3A_1, %get3A_4, %dot_general3A {dimension_numbers = #tpu.dot_dimension_numbers<[1], [0], [0], [1], [0, 0, 1, 1], [], []>, precision = #tpu.contract_precision<fp32>, transpose_lhs_hint = false} : vector<128x128xf32>, vector<128x8xf32>, vector<128x8xf32> -> vector<128x8xf32>
    %swap3A = arith.constant 0 : index
    %swap3A_6 = arith.constant 0 : index
    %swap3A_7 = vector.load %arg2[%swap3A, %swap3A_6] : memref<128x8xf32, #tpu.memory_space<vmem>>, vector<128x8xf32>
    tpu.vector_store %arg2[%swap3A, %swap3A_6], %dot_general3A_5 {strides = array<i32>} : memref<128x8xf32, #tpu.memory_space<vmem>>, vector<128x8xf32>,
    return
  }
}

module attributes {stable_mosaic.version = 14 : i64} {
  func.func @_proj_score_body(%arg0: i32, %arg1: memref<6400x128xf32, #tpu.memory_space<vmem>>, %arg2: memref<6400x128xf32, #tpu.memory_space<vmem>>, %arg3: memref<128x128xf32, #tpu.memory_space<vmem>>, %arg4: memref<128x8xf32, #tpu.memory_space<vmem>>, %arg5: memref<6400x128xf32, #tpu.memory_space<vmem>>, %arg6: memref<4x6400xf32, #tpu.memory_space<vmem>>) attributes {dimension_semantics = [#tpu.dimension_semantics<arbitrary>], iteration_bounds = array<i64: 50>, scalar_prefetch = 0 : i64, scratch_operands = 0 : i64, tpu.core_type = #tpu.core_type<tc>, window_params = [{transform_indices = @transform_0, window_bounds = array<i64: 6400, 128>}, {transform_indices = @transform_1, window_bounds = array<i64: 6400, 128>}, {pipeline_mode = #tpu.pipeline_mode<synchronous>, transform_indices = @transform_2, window_bounds = array<i64: 128, 128>}, {pipeline_mode = #tpu.pipeline_mode<synchronous>, transform_indices = @transform_3, window_bounds = array<i64: 128, 8>}, {transform_indices = @transform_4, window_bounds = array<i64: 6400, 128>}, {transform_indices = @transform_5, window_bounds = array<i64: 4, 6400>}]} {
    %get3A = arith.constant 0 : index
    %get3A_0 = arith.constant 0 : index
    %get3A_1 = vector.load %arg4[%get3A, %get3A_0] : memref<128x8xf32, #tpu.memory_space<vmem>>, vector<128x8xf32>
    %slice3A = vector.extract_strided_slice %get3A_1 {offsets = [0, 0], sizes = [128, 4], strides = [1, 1]} : vector<128x8xf32> to vector<128x4xf32>
    %get3A_2 = arith.constant 0 : index
    %get3A_3 = arith.constant 0 : index
    %get3A_4 = vector.load %arg1[%get3A_2, %get3A_3] : memref<6400x128xf32, #tpu.memory_space<vmem>>, vector<6400x128xf32>
    %dot_general3A = arith.constant dense<0.000000e+00> : vector<4x6400xf32>
    %dot_general3A_5 = tpu.matmul %slice3A, %get3A_4, %dot_general3A {dimension_numbers = #tpu.dot_dimension_numbers<[0], [1], [1], [0], [0, 1, 1, 0], [], []>, transpose_lhs_hint = false} : vector<128x4xf32>, vector<6400x128xf32>, vector<4x6400xf32> -> vector<4x6400xf32>
    %get3A_6 = arith.constant 0 : index
    %get3A_7 = arith.constant 0 : index
    %get3A_8 = vector.load %arg2[%get3A_6, %get3A_7] : memref<6400x128xf32, #tpu.memory_space<vmem>>, vector<6400x128xf32>
    %get3A_9 = arith.constant 0 : index
    %get3A_10 = arith.constant 0 : index
    %get3A_11 = vector.load %arg3[%get3A_9, %get3A_10] : memref<128x128xf32, #tpu.memory_space<vmem>>, vector<128x128xf32>
    %dot_general3A_12 = arith.constant dense<0.000000e+00> : vector<6400x128xf32>
    %dot_general3A_13 = tpu.matmul %get3A_8, %get3A_11, %dot_general3A_12 {dimension_numbers = #tpu.dot_dimension_numbers<[1], [0], [0], [1], [0, 0, 1, 1], [], []>, precision = #tpu.contract_precision<fp32>, transpose_lhs_hint = false} : vector<6400x128xf32>, vector<128x128xf32>, vector<6400x128xf32> -> vector<6400x128xf32>
    %swap3A = arith.constant 0 : index
    %swap3A_14 = arith.constant 0 : index
    %swap3A_15 = vector.load %arg5[%swap3A, %swap3A_14] : memref<6400x128xf32, #tpu.memory_space<vmem>>, vector<6400x128xf32>
    tpu.vector_store %arg5[%swap3A, %swap3A_14], %dot_general3A_13 {strides = array<i32>} : memref<6400x128xf32, #tpu.memory_space<vmem>>, vector<6400x128xf32>,
    %slice3A_16 = vector.extract_strided_slice %get3A_1 {offsets = [0, 4], sizes = [128, 4], strides = [1, 1]} : vector<128x8xf32> to vector<128x4xf32>
    %get3A_17 = arith.constant 0 : index
    %get3A_18 = arith.constant 0 : index
    %get3A_19 = vector.load %arg2[%get3A_17, %get3A_18] : memref<6400x128xf32, #tpu.memory_space<vmem>>, vector<6400x128xf32>
    %dot_general3A_20 = arith.constant dense<0.000000e+00> : vector<4x6400xf32>
    %dot_general3A_21 = tpu.matmul %slice3A_16, %get3A_19, %dot_general3A_20 {dimension_numbers = #tpu.dot_dimension_numbers<[0], [1], [1], [0], [0, 1, 1, 0], [], []>, transpose_lhs_hint = false} : vector<128x4xf32>, vector<6400x128xf32>, vector<4x6400xf32> -> vector<4x6400xf32>
    %add3A = arith.addf %dot_general3A_5, %dot_general3A_21 : vector<4x6400xf32>
    %ge3A = arith.constant 0.000000e+00 : f32
    %ge3A_22 = vector.broadcast %ge3A : f32 to vector<4x6400xf32>
    %ge3A_23 = arith.cmpf oge, %add3A, %ge3A_22 : vector<4x6400xf32>
    %mul3A = arith.constant 2.000000e-01 : f32
    %mul3A_24 = vector.broadcast %mul3A : f32 to vector<4x6400xf32>
    %mul3A_25 = arith.mulf %mul3A_24, %add3A : vector<4x6400xf32>
    %select_n3A = arith.select %ge3A_23, %add3A, %mul3A_25 : vector<4x6400xi1>, vector<4x6400xf32>
    %exp3A = math.exp %select_n3A : vector<4x6400xf32>
    %swap3A_26 = arith.constant 0 : index
    %swap3A_27 = arith.constant 0 : index
    %swap3A_28 = vector.load %arg6[%swap3A_26, %swap3A_27] : memref<4x6400xf32, #tpu.memory_space<vmem>>, vector<4x6400xf32>
    tpu.vector_store %arg6[%swap3A_26, %swap3A_27], %exp3A {strides = array<i32>} : memref<4x6400xf32, #tpu.memory_space<vmem>>, vector<4x6400xf32>,
    return
  }
  func.func @transform_0(%arg0: i32) -> (i32, i32) {
    %c0_i32 = arith.constant 0 : i32
    %c0_i32_0 = arith.constant 0 : i32
    return %arg0, %c0_i32 : i32, i32
  }
  func.func @transform_1(%arg0: i32) -> (i32, i32) {
    %c0_i32 = arith.constant 0 : i32
    %c0_i32_0 = arith.constant 0 : i32
    return %arg0, %c0_i32 : i32, i32
  }
  func.func @transform_2(%arg0: i32) -> (i32, i32) {
    %c0_i32 = arith.constant 0 : i32
    %c0_i32_0 = arith.constant 0 : i32
    %c0_i32_1 = arith.constant 0 : i32
    return %c0_i32, %c0_i32_0 : i32, i32
  }
  func.func @transform_3(%arg0: i32) -> (i32, i32) {
    %c0_i32 = arith.constant 0 : i32
    %c0_i32_0 = arith.constant 0 : i32
    %c0_i32_1 = arith.constant 0 : i32
    return %c0_i32, %c0_i32_0 : i32, i32
  }
  func.func @transform_4(%arg0: i32) -> (i32, i32) {
    %add3A = arith.constant 50 : i32
    %add3A_0 = arith.addi %arg0, %add3A : i32
    %c0_i32 = arith.constant 0 : i32
    %c0_i32_1 = arith.constant 0 : i32
    return %add3A_0, %c0_i32 : i32, i32
  }
  func.func @transform_5(%arg0: i32) -> (i32, i32) {
    %c0_i32 = arith.constant 0 : i32
    %c0_i32_0 = arith.constant 0 : i32
    return %c0_i32, %arg0 : i32, i32
  }
}

module attributes {stable_mosaic.version = 14 : i64} {
  func.func @_weight_body(%arg0: i32, %arg1: memref<4x6400xf32, #tpu.memory_space<vmem>>, %arg2: memref<6400x128xf32, #tpu.memory_space<vmem>>, %arg3: memref<4x128xf32, #tpu.memory_space<vmem>>, %arg4: memref<6400x128xf32, #tpu.memory_space<vmem>>) attributes {dimension_semantics = [#tpu.dimension_semantics<arbitrary>], iteration_bounds = array<i64: 50>, scalar_prefetch = 0 : i64, scratch_operands = 0 : i64, tpu.core_type = #tpu.core_type<tc>, window_params = [{transform_indices = @transform_0, window_bounds = array<i64: 4, 6400>}, {transform_indices = @transform_1, window_bounds = array<i64: 6400, 128>}, {pipeline_mode = #tpu.pipeline_mode<synchronous>, transform_indices = @transform_2, window_bounds = array<i64: 4, 128>}, {transform_indices = @transform_3, window_bounds = array<i64: 6400, 128>}]} {
    %get3A = arith.constant 0 : index
    %get3A_0 = arith.constant 0 : index
    %get3A_1 = vector.load %arg1[%get3A, %get3A_0] : memref<4x6400xf32, #tpu.memory_space<vmem>>, vector<4x6400xf32>
    %get3A_2 = arith.constant 0 : index
    %get3A_3 = arith.constant 0 : index
    %get3A_4 = vector.load %arg3[%get3A_2, %get3A_3] : memref<4x128xf32, #tpu.memory_space<vmem>>, vector<4x128xf32>
    %dot_general3A = arith.constant dense<0.000000e+00> : vector<6400x128xf32>
    %dot_general3A_5 = tpu.matmul %get3A_1, %get3A_4, %dot_general3A {dimension_numbers = #tpu.dot_dimension_numbers<[0], [0], [1], [1], [0, 1, 1, 1], [], []>, transpose_lhs_hint = false} : vector<4x6400xf32>, vector<4x128xf32>, vector<6400x128xf32> -> vector<6400x128xf32>
    %get3A_6 = arith.constant 0 : index
    %get3A_7 = arith.constant 0 : index
    %get3A_8 = vector.load %arg2[%get3A_6, %get3A_7] : memref<6400x128xf32, #tpu.memory_space<vmem>>, vector<6400x128xf32>
    %mul3A = arith.mulf %get3A_8, %dot_general3A_5 : vector<6400x128xf32>
    %swap3A = arith.constant 0 : index
    %swap3A_9 = arith.constant 0 : index
    %swap3A_10 = vector.load %arg4[%swap3A, %swap3A_9] : memref<6400x128xf32, #tpu.memory_space<vmem>>, vector<6400x128xf32>
    tpu.vector_store %arg4[%swap3A, %swap3A_9], %mul3A {strides = array<i32>} : memref<6400x128xf32, #tpu.memory_space<vmem>>, vector<6400x128xf32>,
    return
  }
  func.func @transform_0(%arg0: i32) -> (i32, i32) {
    %c0_i32 = arith.constant 0 : i32
    %c0_i32_0 = arith.constant 0 : i32
    return %c0_i32, %arg0 : i32, i32
  }
  func.func @transform_1(%arg0: i32) -> (i32, i32) {
    %add3A = arith.constant 50 : i32
    %add3A_0 = arith.addi %arg0, %add3A : i32
    %c0_i32 = arith.constant 0 : i32
    %c0_i32_1 = arith.constant 0 : i32
    return %add3A_0, %c0_i32 : i32, i32
  }
  func.func @transform_2(%arg0: i32) -> (i32, i32) {
    %c0_i32 = arith.constant 0 : i32
    %c0_i32_0 = arith.constant 0 : i32
    %c0_i32_1 = arith.constant 0 : i32
    return %c0_i32, %c0_i32_0 : i32, i32
  }
  func.func @transform_3(%arg0: i32) -> (i32, i32) {
    %c0_i32 = arith.constant 0 : i32
    %c0_i32_0 = arith.constant 0 : i32
    return %arg0, %c0_i32 : i32, i32
  }
}

</mosaic_0001>

<sc_bundles>
// kernel: kernel.10.cloned.1.call-start
scs
__scs_entry_jumppad:
0x0: {  	(pc) =	sbr.rel $0x88, $3  }
0x1: {  	(tag) =	ssettag $0x0;
	lr =	simm.s32 $0x1  }
0x2: {  	[smem:$0x3F9C] =	sst lr;
	_ =	strace $0xD0000000  }
0x3: {  	_ = 	snop  }
0x4: {  	_ = 	snop  }
0x5: {  	_ = 	snop  }
0x6: {  	_ = 	snop  }
0x7: {  	_ = 	snop  }
__scs_overlays_trampoline_lowered:
0x8: {  	[smem:$0x3FAB] =	sst s0  }
0x9: {  	[smem:$0x3FAC] =	sst s1  }
0xa: {  	[smem:$0x3FAD] =	sst s2  }
0xb: {  	[smem:$0x3FAE] =	sst s3  }
0xc: {  	[smem:$0x3FAF] =	sst s4  }
0xd: {  	[smem:$0x3FB0] =	sst s5  }
0xe: {  	[smem:$0x3FB1] =	sst s6  }
0xf: {  	[smem:$0x3FB2] =	sst s7  }
0x10: {  	[smem:$0x3FB3] =	sst s8  }
0x11: {  	[smem:$0x3FB4] =	sst s9;
	s0 =	simm.s32 @!p0 $0x0  }
0x12: {  	s1 =	sld [smem:$0x3F9A];
	s0 =	simm.s32 @p0 $0x1  }
0x13: {  	[smem:$0x3FB5] =	sst s0;
	s0 =	simm.s32 @!p1 $0x0  }
0x14: {  	s2 =	sld [smem:$0x3F99];
	s0 =	simm.s32 @p1 $0x1  }
0x15: {  	[smem:$0x3FB6] =	sst s0;
	s0 =	simm.s32 @!p2 $0x0  }
0x16: {  	s3 =	sld [smem:$0x3FDB];
	s0 =	simm.s32 @p2 $0x1  }
0x17: {  	s4 =	simm.s32 $0x1BF5;
	[smem:$0x3FB8] =	sst s0  }
0x18: {  	s0 =	sld [smem:$0x3F9B];
	_ =	swait.ge [sflag:s4], $0x0  }
0x19: {  	s7 =	sld [smem:$0x3F9C]  }
0x1a: {  	s8 =	sadd.s32 $0xFFFFE003, lr  }
0x1b: {  	s9 =	sadd.s32 $0xFFFFFEF7, lr;
	s5 =	simm.s32 $0xFFFFFFFF;
	p2 =	slt.u32 s8, $0xFFFFF086  }
0x1c: {  	p1 =	slt.u32 s9, $0xF7A;
	s5 =	simm.s32 @!p2 $0x0  }
0x1d: {  	s5 =	simm.s32 @p1 $0x1;
	p0 =	seq.s32 s7, s2  }
0x1e: {  	s7 =	smul.u32 @!p0 $0xF7A, s2;
	p2 =	seq.s32 @!p0 s5, $0x0  }
0x1f: {  	s9 =	smul.u32 $0xF7A, s1;
	s8 =	simm.s32 @!p0 $0x1BF5;
	p2 =	por !p2, p0  }
0x20: {  	[sflag:s8] =	ssyncset.s32 @!p0 $0xFFFFF086;
	s6 =	sadd.s32 @!p0 s3, s7;
	s7 =	simm.s32 @!p0 $0x108  }
0x21: {  	s3 =	sadd.s32 s3, s9;
	s6 =	sadd.s32 @!p0 $0x88, s6;
	s7 =	simm.s32 @p2 $0x1082  }
0x22: {  	[simem:s7], [sflag:s8] =	dma.local @!p0 [hbm:s6], $0xF7A  }
0x23: {  	s9 =	sor.u32 $0xD0000000, s2;
	s6 =	simm.s32 $0x108;
	_ =	swait.ge @!p0 [sflag:s8], $0x0  }
0x24: {  	s3 =	sadd.s32 $0x88, s3;
	s6 =	simm.s32 @!p1 $0x1082;
	[sflag:s4] =	ssyncset.s32 $0xFFFFF086  }
0x25: {  	[simem:s6], [sflag:s4] =	dma.local [hbm:s3], $0xF7A  }
0x26: {  	[smem:$0x3F9C] =	sst s1;
	(tag) =	ssettag s2;
	_ =	strace s9  }
0x27: {  	s1 =	sld [smem:$0x3FAC]  }
0x28: {  	s2 =	sld [smem:$0x3FAD]  }
0x29: {  	s4 =	sld [smem:$0x3FAF]  }
0x2a: {  	p0 =	seq.s32 s5, $0x0;
	s5 =	sld [smem:$0x3FB0]  }
0x2b: {  	s6 =	sld [smem:$0x3FB1]  }
0x2c: {  	s7 =	sld [smem:$0x3FB2]  }
0x2d: {  	s3 =	simm.s32 $0x108;
	s8 =	sld [smem:$0x3FB3]  }
0x2e: {  	s3 =	simm.s32 @!p0 $0x1082;
	s9 =	sld [smem:$0x3FB4]  }
0x2f: {  	lr =	sadd.s32 s0, s3;
	s0 =	sld [smem:$0x3FAB]  }
0x30: {  	s3 =	sld [smem:$0x3FAE]  }
0x31: {  	[smem:$0x3FB7] =	sst s10  }
0x32: {  	s10 =	sld [smem:$0x3FB5];
	_ =	sdelay $0x3  }
0x33: {  	p0 =	seq.s32 s10, $0x1;
	s10 =	sld [smem:$0x3FB7];
	_ =	sdelay $0x3  }
0x34: {  	[smem:$0x3FB7] =	sst s10  }
0x35: {  	s10 =	sld [smem:$0x3FB6];
	_ =	sdelay $0x3  }
0x36: {  	p1 =	seq.s32 s10, $0x1;
	s10 =	sld [smem:$0x3FB7];
	_ =	sdelay $0x3  }
0x37: {  	[smem:$0x3FB7] =	sst s10  }
0x38: {  	s10 =	sld [smem:$0x3FB8]  }
0x39: {  	_ = 	snop;
	(pc) =	sbr.ind lr, $3  }
0x3a: {  	_ = 	snop  }
0x3b: {  	_ = 	snop  }
0x3c: {  	p2 =	seq.s32 s10, $0x1;
	s10 =	sld [smem:$0x3FB7]  }
0x3d: {  	_ =	shalt  }
0x3e: {  	_ =	shalt  }
0x3f: {  	_ =	shalt  }
0x40: {  	_ =	shalt  }
0x41: {  	_ =	shalt  }
0x42: {  	_ =	shalt  }
0x43: {  	_ =	shalt  }
0x44: {  	_ =	shalt  }
0x45: {  	_ =	shalt  }
0x46: {  	_ =	shalt  }
0x47: {  	_ =	shalt  }
0x48: {  	_ =	shalt  }
0x49: {  	_ =	shalt  }
0x4a: {  	_ =	shalt  }
0x4b: {  	_ =	shalt  }
0x4c: {  	_ =	shalt  }
0x4d: {  	_ =	shalt  }
0x4e: {  	_ =	shalt  }
0x4f: {  	_ =	shalt  }
0x50: {  	_ =	shalt  }
0x51: {  	_ =	shalt  }
0x52: {  	_ =	shalt  }
0x53: {  	_ =	shalt  }
0x54: {  	_ =	shalt  }
0x55: {  	_ =	shalt  }
0x56: {  	_ =	shalt  }
0x57: {  	_ =	shalt  }
0x58: {  	_ =	shalt  }
0x59: {  	_ =	shalt  }
0x5a: {  	_ =	shalt  }
0x5b: {  	_ =	shalt  }
0x5c: {  	_ =	shalt  }
0x5d: {  	_ =	shalt  }
0x5e: {  	_ =	shalt  }
0x5f: {  	_ =	shalt  }
0x60: {  	_ =	shalt  }
0x61: {  	_ =	shalt  }
0x62: {  	_ =	shalt  }
0x63: {  	_ =	shalt  }
0x64: {  	_ =	shalt  }
0x65: {  	_ =	shalt  }
0x66: {  	_ =	shalt  }
0x67: {  	_ =	shalt  }
0x68: {  	_ =	shalt  }
0x69: {  	_ =	shalt  }
0x6a: {  	_ =	shalt  }
0x6b: {  	_ =	shalt  }
0x6c: {  	_ =	shalt  }
0x6d: {  	_ =	shalt  }
0x6e: {  	_ =	shalt  }
0x6f: {  	_ =	shalt  }
0x70: {  	_ =	shalt  }
0x71: {  	_ =	shalt  }
0x72: {  	_ =	shalt  }
0x73: {  	_ =	shalt  }
0x74: {  	_ =	shalt  }
0x75: {  	_ =	shalt  }
0x76: {  	_ =	shalt  }
0x77: {  	_ =	shalt  }
0x78: {  	_ =	shalt  }
0x79: {  	_ =	shalt  }
0x7a: {  	_ =	shalt  }
0x7b: {  	_ =	shalt  }
0x7c: {  	_ =	shalt  }
0x7d: {  	_ =	shalt  }
0x7e: {  	_ =	shalt  }
0x7f: {  	_ =	shalt  }
0x80: {  	_ =	shalt  }
0x81: {  	_ =	shalt  }
0x82: {  	_ =	shalt  }
0x83: {  	_ =	shalt  }
0x84: {  	_ =	shalt  }
0x85: {  	_ =	shalt  }
0x86: {  	_ =	shalt  }
0x87: {  	_ =	shalt  }
.Lfunc_end0:
.L_simem_size_0:
called_computation.1_lowered:
.L_overlay_start_0:
0x88: {  	s2 =	sld [smem:$0x3FD9]  }
0x89: {  	s3 =	sld [smem:$0x3FFE];
	_ =	sdelay $0x1  }
0x8a: {  	s1 =	srdreg.scid  }
0x8b: {  	s0 =	sand.u32 $0x1, s1  }
0x8c: {  	s16 =	sshll.u32 s0, $0xA;
	s2 =	sadd.s32 s3, s2  }
0x8d: {  	s2 =	sadd.s32 s2, s16  }
0x8e: {  	[smem:$0x3FC3] =	sst s2  }
0x8f: {  	_ = 	snop  }
0x90: {  	(tm) =	ssettm $0x1  }
0x91: {  	s17 =	sld [smem:$0x3FFB];
	_ =	sdelay $0x3  }
0x92: {  	_ =	strace s17  }
0x93: {  	s2 =	sld [smem:$0x3FFC];
	_ =	sdelay $0x3  }
0x94: {  	_ =	strace s2  }
0x95: {  	s2 =	sld [smem:$0x3FFD];
	_ =	sdelay $0x3  }
0x96: {  	_ =	strace s2  }
0x97: {  	_ =	strace $0x8FFFFFFF  }
0x98: {  	s18 =	sld [smem:$0x3FDB];
	_ =	sdelay $0x1  }
0x99: {  	s19 =	simm.s32 $_scs_section_size  }
0x9a: {  	s4 =	simm.s32 $_size__tile_overlayer_lowered;
	s5 =	simm.s32 $_tile_overlayer_lowered  }
0x9b: {  	s22 =	simm.s32 $0x1BFF;
	s21 =	sshll.u32 s5, $0x1;
	s2 =	sadd.s32 s19, s18  }
0x9c: {  	s6 =	simm.s32 $0x0;
	s20 =	sshll.u32 s4, $0x1;
	s4 =	sadd.s32 s21, s2  }
0x9d: {  	[timem:s6], [sflag:s22] =	dma.local [hbm:s4], s20  }
0x9e: {  	_ =	swait.ge [sflag:s22], s20  }
0x9f: {  	s3 =	ssub.s32 $0x0, s20;
	[sflag:s22] =	ssyncset.done $0x0  }
0xa0: {  	[sflag:s22] =	ssyncadd.s32 s3;
	_ =	sdelay $0x1  }
0xa1: {  	s23 =	simm.s32 $0x1B8B  }
0xa2: {  	_ =	swait.ge [sflag:s23], $0x1  }
0xa3: {  	[sflag:s23] =	ssyncset.done $0x0  }
0xa4: {  	s25 =	simm.s32 $0x1B8E;
	s24 =	sld [smem:$0x3FFE];
	[sflag:s23] =	ssyncadd.s32 $0xFFFFFFFF  }
0xa5: {  	s26 =	simm.s32 $execute0_lowered;
	[smem:$0x3FD2] =	sst s25  }
0xa6: {  	s4 =	sshll.u32 s26, $0x1;
	_ =	strace $0x80000049;
	[dreg:$0x1] =	wrdreg $0xFFFFFFFF  }
0xa7: {  	s28 =	simm.s32 $_size_execute0_lowered;
	s2 =	sadd.s32 s2, s4;
	[dreg:$0x0] =	wrdreg $0x0  }
0xa8: {  	s4 =	sshll.u32 s28, $0x1;
	[dreg:$0x2] =	wrdreg s2  }
0xa9: {  	[dreg:$0x3] =	wrdreg s4  }
0xaa: {  	[dreg:$0x4] =	wrdreg $0xC0  }
0xab: {  	_ =	task [dreg:s6], $0x5FFFF  }
0xac: {  	[dreg:$0x1] =	wrdreg $0xFFFFFFFF  }
0xad: {  	[dreg:$0x0] =	wrdreg $0x60  }
0xae: {  	[dreg:$0x2] =	wrdreg s24  }
0xaf: {  	[dreg:$0x3] =	wrdreg $0x9  }
0xb0: {  	_ =	task.clear_ibuf [dreg:s6], $0x4FFFF;
	_ =	strace $0x90000049  }
0xb1: {  	s29 =	simm.s32 $0x9;
	_ =	strace $0x8000004B  }
0xb2: {  	_ =	swait.ge [sflag:s29], $0x1  }
0xb3: {  	[sflag:s29] =	ssyncadd.s32 $0xFFFFFFFF  }
0xb4: {  	_ =	strace $0x9000004B  }
0xb5: {  	_ =	sfence  }
0xb6: {  	s30 =	sld [smem:$0x0];
	_ =	sdelay $0x2  }
0xb7: {  	s31 =	sshll.u32 s1, $0xD;
	s1 =	sshrl.u32 s1, $0x2  }
0xb8: {  	s3 =	sand.u32 $0x4000, s31;
	s1 =	sadd.s32 s1, s30  }
0xb9: {  	s0 =	sor.u32 s3, s0;
	s1 =	sshll.u32 s1, $0x11  }
0xba: {  	s0 =	sor.u32 s1, s0  }
0xbb: {  	s0 =	sadd.s32 $0x8F2B, s0  }
0xbc: {  	[sflag:s0] =	ssyncadd.remote.s32 $0x1  }
0xbd: {  	_ =	sfence.sel $0xFFFF  }
0xbe: {  	[dreg:$0x0] =	wrdreg $0xFFFFFFFF;
	(pc) =	sbr.abs _section_cstart, $3  }
0xbf: {  	[dreg:$0x1] =	wrdreg $0xFFFFFFFF  }
0xc0: {  	_ =	task.clear_ibuf [dreg:s6], $0x2FFFF;
	_ =	strace $0x9FFFFFFF  }
0xc1: {  	(tm) =	ssettm $0x7FFFFFFF  }
tec
execute0_lowered:
.L_overlay_start_1:
0x0: {  	(tag) =	ssettag $0x1  }
0x1: {  	s0 =	srdreg.scid;
	s4 =	rddreg [dreg:$0x0]  }
0x2: {  	s2 =	simm.s32 $0x0;
	s9 =	simm.s32 $0x16150;
	s3 =	sand.u32 $0x1, s0  }
0x3: {  	s10 =	simm.s32 $0x4E200;
	s0 =	stileid.u32;
	s1 =	sshll.u32 s3, $0x4  }
0x4: {  	s11 =	simm.s32 $0x2710;
	s12 =	simm.s32 $0xC350;
	s5 =	sor.u32 s0, s1  }
0x5: {  	s13 =	simm.s32 $0x0;
	[smem:$0x7FF] =	sst s2;
	s5 =	smul.u32 $0x4E2, s5  }
0x6: {  	s6 =	ssub.s32 $0x2, s3;
	s3 =	sadd.s32 $0x32000, s4;
	s1 =	rddreg [dreg:$0x1]  }
0x7: {  	_ =	strace $0x8000004A;
	s31 =	sshrl.u32 s6, $0x1;
	s7 =	sadd.s32 s5, s4  }
0x8: {  	s8 =	ssub.s32 s6, s31;
	s4 =	sadd.s32 $0x28200, s7;
	s5 =	sadd.s32 $0x1000, s7  }
0x9: {  	s6 =	sadd.s32 $0x34800, s7;
	s7 =	smax.u32 s8, $0x1;
	s8 =	simm.s32 $0x1  }
.LBB2_1:
0xa: {  	[tilespmem:s12], [sflag:$0x1] =	stream.linear.gather [hbm4b:s3+s2], $0x9E00, $0x38;
	[tilespmem:$0x16B30] =	vst v63  }
0xb: {  	_ =	swait.ge [sflag:s8], $0x9E00  }
0xc: {  	[sflag:s8] =	ssyncset.done $0x0  }
0xd: {  	s14 =	simm.s32 $0xC350;
	s15 =	simm.s32 $0x0;
	[sflag:s8] =	ssyncadd.s32 $0xFFFF6200  }
.LBB2_2:
0xe: {  	s16 =	smul.u32 $0x9E0, s15;
	_ =	sdelay $0x1  }
0xf: {  	s16 =	sshrl.u32 s16, $0x3  }
0x10: {  	s16 =	sadd.s32 s3, s16  }
0x11: {  	s17 =	simm.s32 $0x0;
	v0 =	vmov s14;
	s16 =	sadd.s32 $0x13C0, s16  }
0x12: {  	[tilespmem:s9], [sflag:$0x1] =	stream.linear.gather [hbm4b:s16+s17], $0x9E0, $0x38;
	[tilespmem:$0x16B30] =	vst v63  }
0x13: {  	_ =	swait.ge [sflag:s8], $0x9E0  }
0x14: {  	[sflag:s8] =	ssyncset.done $0x0  }
0x15: {  	s16 =	simm.s32 $0x0;
	s17 =	simm.s32 $0x40;
	[sflag:s8] =	ssyncadd.s32 $0xFFFFF620  }
.LBB2_3:
0x16: {  	p0 =	sne.s32 s17, $0x2740;
	v1 =	vld.idx.msk [tilespmem:v0+s16+$0x0 ss:$0x1], $0xffff  }
0x17: {  	v2 =	vld [tilespmem:s16+$0x16150];
	_ =	sdelay $0x2  }
.Ltmp0:
0x18: {  	(pc) =	sbr.rel @p0 .LBB2_3-.Ltmp0, $3  }
0x19: {  	_ = 	snop  }
0x1a: {  	v1 =	vadd.f32 v2, v1;
	_ =	sdelay $0x1  }
0x1b: {  	[tilespmem:v0+s16+$0x0 ss:$0x1] =	vst.idx.msk $0xffff, v1;
	s16 =	sshra.s32 s17, $0x2;
	s17 =	sadd.s32 $0x40, s17  }
0x1c: {  	_ =	sdelay $0x3  }
0x1d: {  	v1 =	vld.idx.msk [tilespmem:v0+s16+$0x0 ss:$0x1], $0xffff  }
0x1e: {  	v2 =	vld [tilespmem:s16+$0x16150]  }
0x1f: {  	s15 =	sadd.s32 $0x1, s15  }
0x20: {  	p0 =	sne.s32 s15, $0x10  }
.Ltmp1:
0x21: {  	_ = 	snop;
	(pc) =	sbr.rel @p0 .LBB2_2-.Ltmp1, $3  }
0x22: {  	_ = 	snop  }
0x23: {  	v1 =	vadd.f32 v2, v1;
	_ =	sdelay $0x1  }
0x24: {  	s14 =	sadd.s32 $0x9E0, s14;
	[tilespmem:v0+s16+$0x0 ss:$0x1] =	vst.idx.msk $0xffff, v1  }
0x25: {  	s14 =	simm.s32 $0x0  }
0x26: {  	[tilespmem:s14], [sflag:$0x1] =	stream.linear.gather [hbm4b:s4+s14], $0x2710, $0x38;
	[tilespmem:$0x16B30] =	vst v63  }
0x27: {  	_ =	swait.ge [sflag:s8], $0x2710  }
0x28: {  	[sflag:s8] =	ssyncset.done $0x0  }
0x29: {  	[sflag:s8] =	ssyncadd.s32 $0xFFFFD8F0  }
0x2a: {  	[tilespmem:s11], [sflag:$0x1] =	stream.strided.gather [hbm4b:s5+s11], $0x9C40, s10, s11, $0x38;
	[tilespmem:$0x16B30] =	vst v63  }
0x2b: {  	_ =	swait.ge [sflag:s8], $0x9C40  }
0x2c: {  	[sflag:s8] =	ssyncset.done $0x0  }
0x2d: {  	s14 =	simm.s32 $0x0;
	[sflag:s8] =	ssyncadd.s32 $0xFFFF63C0  }
0x2e: {  	v0 =	vld [tilespmem:s14+$0x0];
	_ =	sdelay $0x4  }
0x2f: {  	v0 =	vshll.u32 v0, $0x2;
	_ =	sdelay $0x4  }
0x30: {  	v1 =	vld.idx.msk [tilespmem:v0+s12+$0x0], $0xffff;
	_ =	sdelay $0x4  }
0x31: {  	v1 =	vadd.f32 $1.000000020e-16, v1;
	_ =	sdelay $0x1  }
0x32: {  	(erf) = vrcp.f32 v1;
	_ =	sdelay $0x4  }
0x33: {  	v58 =	vld [tilespmem:s14+$0x2710];
	_ =	sdelay $0x2  }
0x34: {  	v2 =	vor.u32 $0x1, v0  }
0x35: {  	v3 =	vpop (erf)  }
0x36: {  	v1 =	vmul.f32 v3, v58;
	_ =	sdelay $0x1  }
0x37: {  	[tilespmem:s14+$0x2710] =	vst v1  }
0x38: {  	v1 =	vld.idx.msk [tilespmem:v2+s12+$0x0], $0xffff;
	_ =	sdelay $0x4  }
0x39: {  	v1 =	vadd.f32 $1.000000020e-16, v1;
	_ =	sdelay $0x1  }
0x3a: {  	(erf) = vrcp.f32 v1;
	_ =	sdelay $0x4  }
0x3b: {  	v59 =	vld [tilespmem:s14+$0x4E20];
	_ =	sdelay $0x2  }
0x3c: {  	v60 =	vor.u32 $0x2, v0  }
0x3d: {  	v61 =	vpop (erf)  }
0x3e: {  	v1 =	vmul.f32 v61, v59;
	_ =	sdelay $0x1  }
0x3f: {  	[tilespmem:s14+$0x4E20] =	vst v1  }
0x40: {  	v1 =	vld.idx.msk [tilespmem:v60+s12+$0x0], $0xffff;
	_ =	sdelay $0x4  }
0x41: {  	v1 =	vadd.f32 $1.000000020e-16, v1;
	_ =	sdelay $0x1  }
0x42: {  	(erf) = vrcp.f32 v1;
	_ =	sdelay $0x4  }
0x43: {  	v62 =	vld [tilespmem:s14+$0x7530];
	_ =	sdelay $0x2  }
0x44: {  	v0 =	vor.u32 $0x3, v0  }
0x45: {  	v63 =	vpop (erf)  }
0x46: {  	v1 =	vmul.f32 v63, v62;
	_ =	sdelay $0x1  }
0x47: {  	[tilespmem:s14+$0x7530] =	vst v1  }
0x48: {  	v0 =	vld.idx.msk [tilespmem:v0+s12+$0x0], $0xffff;
	_ =	sdelay $0x4  }
0x49: {  	v0 =	vadd.f32 $1.000000020e-16, v0;
	_ =	sdelay $0x1  }
0x4a: {  	(erf) = vrcp.f32 v0;
	_ =	sdelay $0x1  }
0x4b: {  	s16 =	simm.s32 $0x10;
	s15 =	simm.s32 $0x80  }
.LBB2_6:
0x4c: {  	p0 =	sne.s32 s15, $0x9C00;
	v0 =	vld [tilespmem:s16+$0x0];
	_ =	sdelay $0x1  }
0x4d: {  	v1 =	vld [tilespmem:s14+$0x9C40];
	_ =	sdelay $0x2  }
0x4e: {  	v0 =	vshll.u32 v0, $0x2  }
0x4f: {  	v2 =	vpop (erf)  }
0x50: {  	v1 =	vmul.f32 v2, v1;
	_ =	sdelay $0x1  }
0x51: {  	[tilespmem:s14+$0x9C40] =	vst v1;
	s14 =	smov.u32 s16  }
0x52: {  	v1 =	vld.idx.msk [tilespmem:v0+s12+$0x0], $0xffff;
	_ =	sdelay $0x5  }
0x53: {  	v1 =	vadd.f32 $1.000000020e-16, v1;
	_ =	sdelay $0x1  }
0x54: {  	(erf) = vrcp.f32 v1;
	_ =	sdelay $0x4  }
0x55: {  	v1 =	vld [tilespmem:s14+$0x2710];
	_ =	sdelay $0x2  }
0x56: {  	v2 =	vor.u32 $0x1, v0  }
0x57: {  	v3 =	vpop (erf)  }
0x58: {  	v1 =	vmul.f32 v3, v1;
	_ =	sdelay $0x1  }
0x59: {  	[tilespmem:s14+$0x2710] =	vst v1  }
0x5a: {  	v1 =	vld.idx.msk [tilespmem:v2+s12+$0x0], $0xffff;
	_ =	sdelay $0x5  }
0x5b: {  	v1 =	vadd.f32 $1.000000020e-16, v1;
	_ =	sdelay $0x1  }
0x5c: {  	(erf) = vrcp.f32 v1;
	_ =	sdelay $0x4  }
0x5d: {  	v1 =	vld [tilespmem:s14+$0x4E20];
	_ =	sdelay $0x2  }
0x5e: {  	v2 =	vor.u32 $0x2, v0  }
0x5f: {  	v3 =	vpop (erf)  }
0x60: {  	v1 =	vmul.f32 v3, v1;
	_ =	sdelay $0x1  }
0x61: {  	[tilespmem:s14+$0x4E20] =	vst v1  }
0x62: {  	v1 =	vld.idx.msk [tilespmem:v2+s12+$0x0], $0xffff;
	_ =	sdelay $0x5  }
0x63: {  	v1 =	vadd.f32 $1.000000020e-16, v1;
	_ =	sdelay $0x1  }
0x64: {  	(erf) = vrcp.f32 v1;
	_ =	sdelay $0x4  }
0x65: {  	v1 =	vld [tilespmem:s14+$0x7530];
	_ =	sdelay $0x2  }
0x66: {  	v0 =	vor.u32 $0x3, v0  }
0x67: {  	v2 =	vpop (erf)  }
0x68: {  	v1 =	vmul.f32 v2, v1;
	_ =	sdelay $0x1  }
0x69: {  	[tilespmem:s14+$0x7530] =	vst v1  }
0x6a: {  	v0 =	vld.idx.msk [tilespmem:v0+s12+$0x0], $0xffff;
	_ =	sdelay $0x5  }
.Ltmp2:
0x6b: {  	v0 =	vadd.f32 $1.000000020e-16, v0;
	(pc) =	sbr.rel @p0 .LBB2_6-.Ltmp2, $3  }
0x6c: {  	_ = 	snop  }
0x6d: {  	(erf) = vrcp.f32 v0;
	_ =	sdelay $0x1  }
0x6e: {  	s16 =	sshra.s32 s15, $0x2;
	s15 =	sadd.s32 $0x40, s15  }
0x6f: {  	v0 =	vld [tilespmem:s16+$0x0];
	_ =	sdelay $0x1  }
0x70: {  	v1 =	vld [tilespmem:s14+$0x9C40];
	_ =	sdelay $0x2  }
0x71: {  	v0 =	vshll.u32 v0, $0x2  }
0x72: {  	v2 =	vpop (erf)  }
0x73: {  	v1 =	vmul.f32 v2, v1;
	_ =	sdelay $0x1  }
0x74: {  	[tilespmem:s14+$0x9C40] =	vst v1  }
0x75: {  	v1 =	vld.idx.msk [tilespmem:v0+s12+$0x0], $0xffff;
	_ =	sdelay $0x4  }
0x76: {  	v1 =	vadd.f32 $1.000000020e-16, v1;
	_ =	sdelay $0x1  }
0x77: {  	(erf) = vrcp.f32 v1;
	_ =	sdelay $0x4  }
0x78: {  	v55 =	vld [tilespmem:s16+$0x2710];
	_ =	sdelay $0x2  }
0x79: {  	v56 =	vor.u32 $0x1, v0  }
0x7a: {  	v3 =	vpop (erf)  }
0x7b: {  	v1 =	vmul.f32 v3, v55;
	_ =	sdelay $0x1  }
0x7c: {  	[tilespmem:s16+$0x2710] =	vst v1  }
0x7d: {  	v1 =	vld.idx.msk [tilespmem:v56+s12+$0x0], $0xffff;
	_ =	sdelay $0x4  }
0x7e: {  	v1 =	vadd.f32 $1.000000020e-16, v1;
	_ =	sdelay $0x1  }
0x7f: {  	(erf) = vrcp.f32 v1;
	_ =	sdelay $0x4  }
0x80: {  	v57 =	vld [tilespmem:s16+$0x4E20];
	_ =	sdelay $0x2  }
0x81: {  	v58 =	vor.u32 $0x2, v0  }
0x82: {  	v59 =	vpop (erf)  }
0x83: {  	v1 =	vmul.f32 v59, v57;
	_ =	sdelay $0x1  }
0x84: {  	[tilespmem:s16+$0x4E20] =	vst v1  }
0x85: {  	v1 =	vld.idx.msk [tilespmem:v58+s12+$0x0], $0xffff;
	_ =	sdelay $0x4  }
0x86: {  	v1 =	vadd.f32 $1.000000020e-16, v1;
	_ =	sdelay $0x1  }
0x87: {  	(erf) = vrcp.f32 v1;
	_ =	sdelay $0x4  }
0x88: {  	v60 =	vld [tilespmem:s16+$0x7530];
	_ =	sdelay $0x2  }
0x89: {  	v0 =	vor.u32 $0x3, v0  }
0x8a: {  	v61 =	vpop (erf)  }
0x8b: {  	v1 =	vmul.f32 v61, v60;
	_ =	sdelay $0x1  }
0x8c: {  	[tilespmem:s16+$0x7530] =	vst v1  }
0x8d: {  	v0 =	vld.idx.msk [tilespmem:v0+s12+$0x0], $0xffff;
	_ =	sdelay $0x4  }
0x8e: {  	v0 =	vadd.f32 $1.000000020e-16, v0;
	_ =	sdelay $0x1  }
0x8f: {  	(erf) = vrcp.f32 v0;
	_ =	sdelay $0x4  }
0x90: {  	v62 =	vld [tilespmem:s16+$0x9C40];
	_ =	sdelay $0x3  }
0x91: {  	v63 =	vpop (erf)  }
0x92: {  	s13 =	sadd.s32 $0x1, s13;
	v0 =	vmul.f32 v63, v62  }
0x93: {  	p0 =	sne.s32 s13, s7  }
.Ltmp3:
0x94: {  	[tilespmem:s16+$0x9C40] =	vst v0;
	(pc) =	sbr.rel @p0 .LBB2_1-.Ltmp3, $4  }
0x95: {  	[hbm4b:s6+s11] =	stream.strided.scatter [tilespmem:s11], [sflag:$0x1], $0x9C40, s10, s11, $0x38;
	[tilespmem:$0x16B30] =	vst v63  }
0x96: {  	_ =	swait.ge [sflag:s8], $0x9C40  }
0x97: {  	[sflag:s8] =	ssyncset.done $0x0  }
0x98: {  	[sflag:s8] =	ssyncadd.s32 $0xFFFF63C0  }
0x99: {  	_ =	sfence.sel $0x180000  }
0x9a: {  	[bflag:$0x0] =	sbarrier.arrive $0xFFFF  }
0x9b: {  	p0 =	sne.s32 s0, $0x0;
	_ =	strace $0x9000004A  }
0x9c: {  	s0 =	sadd.s32 @!p0 $0x100000, s1;
	[bflag:$0x2] =	sbarrier.arrive $0xFFFF  }
0x9d: {  	[sflag:s0] =	ssyncadd.tile.s32 @!p0 $0x1;
	_ =	shalt  }
.Lfunc_end2:
_tile_overlayer_lowered:
.L_overlay_start_2:
0x9e: {  	(tag) =	ssettag $0x2  }
0x9f: {  	s0 =	rddreg [dreg:$0x0];
	s2 =	stileid.u32  }
0xa0: {  	s1 =	rddreg [dreg:$0x1];
	p0 =	sne.s32 s2, $0x0  }
0xa1: {  	s3 =	rddreg [dreg:$0x2];
	[bflag:$0x3] =	sbarrier.arrive $0xFFFF;
	s2 =	simm.s32 @!p0 $0x1C01  }
0xa2: {  	[timem:s3], [sflag:s2] =	dma.local @!p0 [hbm:s0], s1  }
0xa3: {  	s0 =	simm.s32 @!p0 $0x1  }
0xa4: {  	_ =	swait.ge @!p0 [sflag:s0], s1  }
0xa5: {  	s1 =	ssub.s32 @!p0 $0x0, s1;
	[sflag:s0] =	ssyncset.done @!p0 $0x0  }
0xa6: {  	[sflag:s0] =	ssyncadd.s32 @!p0 s1  }
0xa7: {  	[bflag:$0x3] =	sbarrier.arrive $0xFFFF  }
0xa8: {  	_ =	shalt  }

// kernel: kernel.7.cloned.1.call-start
scs
__scs_entry_jumppad:
0x0: {  	(pc) =	sbr.rel $0x88, $3  }
0x1: {  	(tag) =	ssettag $0x0;
	lr =	simm.s32 $0x1  }
0x2: {  	[smem:$0x3F9C] =	sst lr;
	_ =	strace $0xD0000000  }
0x3: {  	_ = 	snop  }
0x4: {  	_ = 	snop  }
0x5: {  	_ = 	snop  }
0x6: {  	_ = 	snop  }
0x7: {  	_ = 	snop  }
__scs_overlays_trampoline_lowered:
0x8: {  	[smem:$0x3FAB] =	sst s0  }
0x9: {  	[smem:$0x3FAC] =	sst s1  }
0xa: {  	[smem:$0x3FAD] =	sst s2  }
0xb: {  	[smem:$0x3FAE] =	sst s3  }
0xc: {  	[smem:$0x3FAF] =	sst s4  }
0xd: {  	[smem:$0x3FB0] =	sst s5  }
0xe: {  	[smem:$0x3FB1] =	sst s6  }
0xf: {  	[smem:$0x3FB2] =	sst s7  }
0x10: {  	[smem:$0x3FB3] =	sst s8  }
0x11: {  	[smem:$0x3FB4] =	sst s9;
	s0 =	simm.s32 @!p0 $0x0  }
0x12: {  	s1 =	sld [smem:$0x3F9A];
	s0 =	simm.s32 @p0 $0x1  }
0x13: {  	[smem:$0x3FB5] =	sst s0;
	s0 =	simm.s32 @!p1 $0x0  }
0x14: {  	s2 =	sld [smem:$0x3F99];
	s0 =	simm.s32 @p1 $0x1  }
0x15: {  	[smem:$0x3FB6] =	sst s0;
	s0 =	simm.s32 @!p2 $0x0  }
0x16: {  	s3 =	sld [smem:$0x3FDB];
	s0 =	simm.s32 @p2 $0x1  }
0x17: {  	s4 =	simm.s32 $0x1BF5;
	[smem:$0x3FB8] =	sst s0  }
0x18: {  	s0 =	sld [smem:$0x3F9B];
	_ =	swait.ge [sflag:s4], $0x0  }
0x19: {  	s7 =	sld [smem:$0x3F9C]  }
0x1a: {  	s8 =	sadd.s32 $0xFFFFE003, lr  }
0x1b: {  	s9 =	sadd.s32 $0xFFFFFEF7, lr;
	s5 =	simm.s32 $0xFFFFFFFF;
	p2 =	slt.u32 s8, $0xFFFFF086  }
0x1c: {  	p1 =	slt.u32 s9, $0xF7A;
	s5 =	simm.s32 @!p2 $0x0  }
0x1d: {  	s5 =	simm.s32 @p1 $0x1;
	p0 =	seq.s32 s7, s2  }
0x1e: {  	s7 =	smul.u32 @!p0 $0xF7A, s2;
	p2 =	seq.s32 @!p0 s5, $0x0  }
0x1f: {  	s9 =	smul.u32 $0xF7A, s1;
	s8 =	simm.s32 @!p0 $0x1BF5;
	p2 =	por !p2, p0  }
0x20: {  	[sflag:s8] =	ssyncset.s32 @!p0 $0xFFFFF086;
	s6 =	sadd.s32 @!p0 s3, s7;
	s7 =	simm.s32 @!p0 $0x108  }
0x21: {  	s3 =	sadd.s32 s3, s9;
	s6 =	sadd.s32 @!p0 $0x88, s6;
	s7 =	simm.s32 @p2 $0x1082  }
0x22: {  	[simem:s7], [sflag:s8] =	dma.local @!p0 [hbm:s6], $0xF7A  }
0x23: {  	s9 =	sor.u32 $0xD0000000, s2;
	s6 =	simm.s32 $0x108;
	_ =	swait.ge @!p0 [sflag:s8], $0x0  }
0x24: {  	s3 =	sadd.s32 $0x88, s3;
	s6 =	simm.s32 @!p1 $0x1082;
	[sflag:s4] =	ssyncset.s32 $0xFFFFF086  }
0x25: {  	[simem:s6], [sflag:s4] =	dma.local [hbm:s3], $0xF7A  }
0x26: {  	[smem:$0x3F9C] =	sst s1;
	(tag) =	ssettag s2;
	_ =	strace s9  }
0x27: {  	s1 =	sld [smem:$0x3FAC]  }
0x28: {  	s2 =	sld [smem:$0x3FAD]  }
0x29: {  	s4 =	sld [smem:$0x3FAF]  }
0x2a: {  	p0 =	seq.s32 s5, $0x0;
	s5 =	sld [smem:$0x3FB0]  }
0x2b: {  	s6 =	sld [smem:$0x3FB1]  }
0x2c: {  	s7 =	sld [smem:$0x3FB2]  }
0x2d: {  	s3 =	simm.s32 $0x108;
	s8 =	sld [smem:$0x3FB3]  }
0x2e: {  	s3 =	simm.s32 @!p0 $0x1082;
	s9 =	sld [smem:$0x3FB4]  }
0x2f: {  	lr =	sadd.s32 s0, s3;
	s0 =	sld [smem:$0x3FAB]  }
0x30: {  	s3 =	sld [smem:$0x3FAE]  }
0x31: {  	[smem:$0x3FB7] =	sst s10  }
0x32: {  	s10 =	sld [smem:$0x3FB5];
	_ =	sdelay $0x3  }
0x33: {  	p0 =	seq.s32 s10, $0x1;
	s10 =	sld [smem:$0x3FB7];
	_ =	sdelay $0x3  }
0x34: {  	[smem:$0x3FB7] =	sst s10  }
0x35: {  	s10 =	sld [smem:$0x3FB6];
	_ =	sdelay $0x3  }
0x36: {  	p1 =	seq.s32 s10, $0x1;
	s10 =	sld [smem:$0x3FB7];
	_ =	sdelay $0x3  }
0x37: {  	[smem:$0x3FB7] =	sst s10  }
0x38: {  	s10 =	sld [smem:$0x3FB8]  }
0x39: {  	_ = 	snop;
	(pc) =	sbr.ind lr, $3  }
0x3a: {  	_ = 	snop  }
0x3b: {  	_ = 	snop  }
0x3c: {  	p2 =	seq.s32 s10, $0x1;
	s10 =	sld [smem:$0x3FB7]  }
0x3d: {  	_ =	shalt  }
0x3e: {  	_ =	shalt  }
0x3f: {  	_ =	shalt  }
0x40: {  	_ =	shalt  }
0x41: {  	_ =	shalt  }
0x42: {  	_ =	shalt  }
0x43: {  	_ =	shalt  }
0x44: {  	_ =	shalt  }
0x45: {  	_ =	shalt  }
0x46: {  	_ =	shalt  }
0x47: {  	_ =	shalt  }
0x48: {  	_ =	shalt  }
0x49: {  	_ =	shalt  }
0x4a: {  	_ =	shalt  }
0x4b: {  	_ =	shalt  }
0x4c: {  	_ =	shalt  }
0x4d: {  	_ =	shalt  }
0x4e: {  	_ =	shalt  }
0x4f: {  	_ =	shalt  }
0x50: {  	_ =	shalt  }
0x51: {  	_ =	shalt  }
0x52: {  	_ =	shalt  }
0x53: {  	_ =	shalt  }
0x54: {  	_ =	shalt  }
0x55: {  	_ =	shalt  }
0x56: {  	_ =	shalt  }
0x57: {  	_ =	shalt  }
0x58: {  	_ =	shalt  }
0x59: {  	_ =	shalt  }
0x5a: {  	_ =	shalt  }
0x5b: {  	_ =	shalt  }
0x5c: {  	_ =	shalt  }
0x5d: {  	_ =	shalt  }
0x5e: {  	_ =	shalt  }
0x5f: {  	_ =	shalt  }
0x60: {  	_ =	shalt  }
0x61: {  	_ =	shalt  }
0x62: {  	_ =	shalt  }
0x63: {  	_ =	shalt  }
0x64: {  	_ =	shalt  }
0x65: {  	_ =	shalt  }
0x66: {  	_ =	shalt  }
0x67: {  	_ =	shalt  }
0x68: {  	_ =	shalt  }
0x69: {  	_ =	shalt  }
0x6a: {  	_ =	shalt  }
0x6b: {  	_ =	shalt  }
0x6c: {  	_ =	shalt  }
0x6d: {  	_ =	shalt  }
0x6e: {  	_ =	shalt  }
0x6f: {  	_ =	shalt  }
0x70: {  	_ =	shalt  }
0x71: {  	_ =	shalt  }
0x72: {  	_ =	shalt  }
0x73: {  	_ =	shalt  }
0x74: {  	_ =	shalt  }
0x75: {  	_ =	shalt  }
0x76: {  	_ =	shalt  }
0x77: {  	_ =	shalt  }
0x78: {  	_ =	shalt  }
0x79: {  	_ =	shalt  }
0x7a: {  	_ =	shalt  }
0x7b: {  	_ =	shalt  }
0x7c: {  	_ =	shalt  }
0x7d: {  	_ =	shalt  }
0x7e: {  	_ =	shalt  }
0x7f: {  	_ =	shalt  }
0x80: {  	_ =	shalt  }
0x81: {  	_ =	shalt  }
0x82: {  	_ =	shalt  }
0x83: {  	_ =	shalt  }
0x84: {  	_ =	shalt  }
0x85: {  	_ =	shalt  }
0x86: {  	_ =	shalt  }
0x87: {  	_ =	shalt  }
.Lfunc_end0:
.L_simem_size_0:
called_computation_lowered:
.L_overlay_start_0:
0x88: {  	s2 =	sld [smem:$0x3FD9]  }
0x89: {  	s3 =	sld [smem:$0x3FFE];
	_ =	sdelay $0x1  }
0x8a: {  	s1 =	srdreg.scid  }
0x8b: {  	s0 =	sand.u32 $0x1, s1  }
0x8c: {  	s16 =	sshll.u32 s0, $0xA;
	s2 =	sadd.s32 s3, s2  }
0x8d: {  	s2 =	sadd.s32 s2, s16  }
0x8e: {  	[smem:$0x3FC3] =	sst s2  }
0x8f: {  	_ = 	snop  }
0x90: {  	(tm) =	ssettm $0x1  }
0x91: {  	s17 =	sld [smem:$0x3FFB];
	_ =	sdelay $0x3  }
0x92: {  	_ =	strace s17  }
0x93: {  	s2 =	sld [smem:$0x3FFC];
	_ =	sdelay $0x3  }
0x94: {  	_ =	strace s2  }
0x95: {  	s2 =	sld [smem:$0x3FFD];
	_ =	sdelay $0x3  }
0x96: {  	_ =	strace s2  }
0x97: {  	_ =	strace $0x8FFFFFFF  }
0x98: {  	s18 =	sld [smem:$0x3FDB];
	_ =	sdelay $0x1  }
0x99: {  	s19 =	simm.s32 $_scs_section_size  }
0x9a: {  	s4 =	simm.s32 $_size__tile_overlayer_lowered;
	s5 =	simm.s32 $_tile_overlayer_lowered  }
0x9b: {  	s22 =	simm.s32 $0x1BFF;
	s21 =	sshll.u32 s5, $0x1;
	s2 =	sadd.s32 s19, s18  }
0x9c: {  	s6 =	simm.s32 $0x0;
	s20 =	sshll.u32 s4, $0x1;
	s4 =	sadd.s32 s21, s2  }
0x9d: {  	[timem:s6], [sflag:s22] =	dma.local [hbm:s4], s20  }
0x9e: {  	_ =	swait.ge [sflag:s22], s20  }
0x9f: {  	s3 =	ssub.s32 $0x0, s20;
	[sflag:s22] =	ssyncset.done $0x0  }
0xa0: {  	[sflag:s22] =	ssyncadd.s32 s3;
	_ =	sdelay $0x1  }
0xa1: {  	s23 =	simm.s32 $0x1B8B  }
0xa2: {  	_ =	swait.ge [sflag:s23], $0x1  }
0xa3: {  	[sflag:s23] =	ssyncset.done $0x0  }
0xa4: {  	s25 =	simm.s32 $0x1B8E;
	s24 =	sld [smem:$0x3FFE];
	[sflag:s23] =	ssyncadd.s32 $0xFFFFFFFF  }
0xa5: {  	s26 =	simm.s32 $execute0_lowered;
	[smem:$0x3FD2] =	sst s25  }
0xa6: {  	s4 =	sshll.u32 s26, $0x1;
	_ =	strace $0x80000046;
	[dreg:$0x1] =	wrdreg $0xFFFFFFFF  }
0xa7: {  	s28 =	simm.s32 $_size_execute0_lowered;
	s2 =	sadd.s32 s2, s4;
	[dreg:$0x0] =	wrdreg $0x0  }
0xa8: {  	s4 =	sshll.u32 s28, $0x1;
	[dreg:$0x2] =	wrdreg s2  }
0xa9: {  	[dreg:$0x3] =	wrdreg s4  }
0xaa: {  	[dreg:$0x4] =	wrdreg $0xC0  }
0xab: {  	_ =	task [dreg:s6], $0x5FFFF  }
0xac: {  	[dreg:$0x1] =	wrdreg $0xFFFFFFFF  }
0xad: {  	[dreg:$0x0] =	wrdreg $0x60  }
0xae: {  	[dreg:$0x2] =	wrdreg s24  }
0xaf: {  	[dreg:$0x3] =	wrdreg $0x161500  }
0xb0: {  	[dreg:$0x4] =	wrdreg $0x9  }
0xb1: {  	_ =	task.clear_ibuf [dreg:s6], $0x5FFFF;
	_ =	strace $0x90000046  }
0xb2: {  	s29 =	simm.s32 $0x9;
	_ =	strace $0x80000048  }
0xb3: {  	_ =	swait.ge [sflag:s29], $0x1  }
0xb4: {  	[sflag:s29] =	ssyncadd.s32 $0xFFFFFFFF  }
0xb5: {  	_ =	strace $0x90000048  }
0xb6: {  	_ =	sfence  }
0xb7: {  	s30 =	sld [smem:$0x0];
	_ =	sdelay $0x2  }
0xb8: {  	s31 =	sshll.u32 s1, $0xD;
	s1 =	sshrl.u32 s1, $0x2  }
0xb9: {  	s3 =	sand.u32 $0x4000, s31;
	s1 =	sadd.s32 s1, s30  }
0xba: {  	s0 =	sor.u32 s3, s0;
	s1 =	sshll.u32 s1, $0x11  }
0xbb: {  	s0 =	sor.u32 s1, s0  }
0xbc: {  	s0 =	sadd.s32 $0x8F2B, s0  }
0xbd: {  	[sflag:s0] =	ssyncadd.remote.s32 $0x1  }
0xbe: {  	_ =	sfence.sel $0xFFFF  }
0xbf: {  	[dreg:$0x0] =	wrdreg $0xFFFFFFFF;
	(pc) =	sbr.abs _section_cstart, $3  }
0xc0: {  	[dreg:$0x1] =	wrdreg $0xFFFFFFFF  }
0xc1: {  	_ =	task.clear_ibuf [dreg:s6], $0x2FFFF;
	_ =	strace $0x9FFFFFFF  }
0xc2: {  	(tm) =	ssettm $0x7FFFFFFF  }
0xc3: {  	_ =	shalt  }
tec
execute0_lowered:
.L_overlay_start_1:
0x0: {  	(tag) =	ssettag $0x1  }
0x1: {  	s4 =	rddreg [dreg:$0x0]  }
0x2: {  	s0 =	srdreg.scid;
	s8 =	rddreg [dreg:$0x1];
	s2 =	simm.s32 $0x0  }
0x3: {  	s12 =	simm.s32 $0x4E200;
	s13 =	simm.s32 $0x2710;
	s3 =	sand.u32 $0x1, s0  }
0x4: {  	s14 =	simm.s32 $0xC350;
	s0 =	stileid.u32;
	s6 =	smul.u32 $0x9E00, s3  }
0x5: {  	s15 =	simm.s32 $0xC840;
	s16 =	simm.s32 $0x11250;
	s9 =	smul.u32 $0x4F0, s0  }
0x6: {  	s17 =	simm.s32 $0x0;
	s1 =	sshll.u32 s3, $0x4;
	s7 =	smul.u32 $0x13C00, s0  }
0x7: {  	s3 =	ssub.s32 $0x2, s3;
	s31 =	smul.u32 $0x13C0, s0;
	s1 =	sor.u32 s0, s1  }
0x8: {  	[smem:$0x7FF] =	sst s2;
	s30 =	sshrl.u32 s3, $0x1;
	s5 =	smul.u32 $0x4E2, s1  }
0x9: {  	s1 =	rddreg [dreg:$0x2];
	_ =	strace $0x80000047;
	s6 =	sadd.s32 s9, s6  }
0xa: {  	s11 =	ssub.s32 s3, s30;
	s7 =	sshrl.u32 s7, $0x2;
	s6 =	sshrl.u32 s6, $0x3  }
0xb: {  	s5 =	sadd.s32 s5, s4;
	s10 =	sadd.s32 s6, s4;
	s6 =	sshrl.u32 s31, $0x2  }
0xc: {  	s3 =	sadd.s32 $0x28200, s5;
	s4 =	sadd.s32 $0x1000, s5;
	s5 =	sadd.s32 s7, s8  }
0xd: {  	s6 =	sadd.s32 s6, s8;
	s7 =	sadd.s32 $0x32000, s10;
	s8 =	sadd.s32 s9, s8  }
0xe: {  	v0 =	vimm.f32 $0.0e+00;
	s9 =	sadd.s32 $0x329E0, s10;
	s10 =	smax.u32 s11, $0x1;
	s11 =	simm.s32 $0x1  }
.LBB2_1:
0xf: {  	s18 =	simm.s32 $0x40;
	s19 =	simm.s32 $0x0  }
.LBB2_2:
0x10: {  	p0 =	sne.s32 s18, $0x277C0;
	[tilespmem:s19+$0xC350] =	vst v0;
	s19 =	smov.u32 s18;
	s18 =	sadd.s32 $0x40, s18  }
.Ltmp0:
0x11: {  	(pc) =	sbr.rel @p0 .LBB2_2-.Ltmp0, $2  }
0x12: {  	_ =	sdelay $0x2  }
0x13: {  	s19 =	sshra.s32 s19, $0x2  }
0x14: {  	[tilespmem:s19+$0xC350] =	vst v0;
	s18 =	simm.s32 $0x0  }
0x15: {  	[tilespmem:s18], [sflag:$0x1] =	stream.linear.gather [hbm4b:s3+s18], $0x2710, $0x38;
	[tilespmem:$0x1B050] =	vst v63  }
0x16: {  	_ =	swait.ge [sflag:s11], $0x2710  }
0x17: {  	[sflag:s11] =	ssyncset.done $0x0  }
0x18: {  	[sflag:s11] =	ssyncadd.s32 $0xFFFFD8F0  }
0x19: {  	[tilespmem:s13], [sflag:$0x1] =	stream.strided.gather [hbm4b:s4+s13], $0x9C40, s12, s13, $0x38;
	[tilespmem:$0x1B050] =	vst v63  }
0x1a: {  	_ =	swait.ge [sflag:s11], $0x9C40  }
0x1b: {  	[sflag:s11] =	ssyncset.done $0x0  }
0x1c: {  	s19 =	simm.s32 $0x40;
	s18 =	simm.s32 $0x0;
	[sflag:s11] =	ssyncadd.s32 $0xFFFF63C0  }
.LBB2_4:
0x1d: {  	p0 =	sne.s32 s19, $0x9C00;
	v1 =	vld [tilespmem:s18+$0x0]  }
0x1e: {  	v2 =	vld [tilespmem:s18+$0x2710];
	_ =	sdelay $0x3  }
0x1f: {  	v1 =	vshll.u32 v1, $0x2;
	_ =	sdelay $0x4  }
0x20: {  	[tilespmem:v1+s14+$0x0] =	vst.idx.add.f32.msk $0xffff, v2  }
0x21: {  	v3 =	vor.u32 $0x1, v1;
	v2 =	vld [tilespmem:s18+$0x4E20];
	_ =	sdelay $0x4  }
0x22: {  	[tilespmem:v3+s14+$0x0] =	vst.idx.add.f32.msk $0xffff, v2  }
0x23: {  	v3 =	vor.u32 $0x2, v1;
	v2 =	vld [tilespmem:s18+$0x7530];
	_ =	sdelay $0x4  }
0x24: {  	[tilespmem:v3+s14+$0x0] =	vst.idx.add.f32.msk $0xffff, v2  }
0x25: {  	v1 =	vor.u32 $0x3, v1;
	v2 =	vld [tilespmem:s18+$0x9C40]  }
.Ltmp1:
0x26: {  	(pc) =	sbr.rel @p0 .LBB2_4-.Ltmp1, $2  }
0x27: {  	_ =	sdelay $0x2  }
0x28: {  	s18 =	sshra.s32 s19, $0x2;
	s19 =	sadd.s32 $0x40, s19;
	[tilespmem:v1+s14+$0x0] =	vst.idx.add.f32.msk $0xffff, v2  }
0x29: {  	v1 =	vld [tilespmem:s18+$0x0];
	_ =	sdelay $0x4  }
0x2a: {  	v2 =	vld [tilespmem:s18+$0x2710];
	v1 =	vshll.u32 v1, $0x2;
	_ =	sdelay $0x4  }
0x2b: {  	[tilespmem:v1+s14+$0x0] =	vst.idx.add.f32.msk $0xffff, v2  }
0x2c: {  	v3 =	vor.u32 $0x1, v1;
	v2 =	vld [tilespmem:s18+$0x4E20];
	_ =	sdelay $0x4  }
0x2d: {  	[tilespmem:v3+s14+$0x0] =	vst.idx.add.f32.msk $0xffff, v2  }
0x2e: {  	v3 =	vor.u32 $0x2, v1;
	v2 =	vld [tilespmem:s18+$0x7530];
	_ =	sdelay $0x4  }
0x2f: {  	[tilespmem:v3+s14+$0x0] =	vst.idx.add.f32.msk $0xffff, v2  }
0x30: {  	v1 =	vor.u32 $0x3, v1;
	v2 =	vld [tilespmem:s18+$0x9C40];
	_ =	sdelay $0x4  }
0x31: {  	[tilespmem:v1+s14+$0x0] =	vst.idx.add.f32.msk $0xffff, v2  }
0x32: {  	[bflag:$0x0] =	sbarrier.arrive $0xFFFF  }
0x33: {  	[spmem:s5] =	stream.linear.scatter [tilespmem:s14], [sflag:$0x1], $0x4F00, $0x38;
	[tilespmem:$0x1B050] =	vst v63  }
0x34: {  	_ =	swait.ge [sflag:s11], $0x4F00  }
0x35: {  	[sflag:s11] =	ssyncset.done $0x0  }
0x36: {  	s19 =	simm.s32 $0x40;
	[sflag:s11] =	ssyncadd.s32 $0xFFFFB100  }
0x37: {  	s20 =	simm.s32 $0x0;
	s18 =	simm.s32 $0x0;
	[bflag:$0x0] =	sbarrier.arrive $0xFFFF  }
.LBB2_6:
0x38: {  	p0 =	sne.s32 s19, $0x1380;
	[tilespmem:s20+$0xC840] =	vst v0;
	s20 =	smov.u32 s19;
	s19 =	sadd.s32 $0x40, s19  }
.Ltmp2:
0x39: {  	(pc) =	sbr.rel @p0 .LBB2_6-.Ltmp2, $2  }
0x3a: {  	_ =	sdelay $0x2  }
0x3b: {  	s20 =	sshra.s32 s20, $0x2  }
0x3c: {  	[tilespmem:s20+$0xC840] =	vst v0  }
.LBB2_8:
0x3d: {  	s19 =	smul.u32 $0x13C00, s18;
	_ =	sdelay $0x1  }
0x3e: {  	s19 =	sshra.s32 s19, $0x2  }
0x3f: {  	s19 =	sadd.s32 s19, s6  }
0x40: {  	[tilespmem:s14], [sflag:$0x1] =	stream.linear.gather [spmem:s19], $0x4F0, $0x38;
	[tilespmem:$0x1B050] =	vst v63  }
0x41: {  	_ =	swait.ge [sflag:s11], $0x4F0  }
0x42: {  	[sflag:s11] =	ssyncset.done $0x0  }
0x43: {  	s19 =	simm.s32 $0x0;
	[sflag:s11] =	ssyncadd.s32 $0xFFFFFB10  }
0x44: {  	s20 =	simm.s32 $0x40;
	v1 =	vld [tilespmem:s19+$0xC350]  }
.LBB2_9:
0x45: {  	p0 =	sne.s32 s20, $0x1380;
	v2 =	vld [tilespmem:s19+$0xC840];
	_ =	sdelay $0x2  }
.Ltmp3:
0x46: {  	(pc) =	sbr.rel @p0 .LBB2_9-.Ltmp3, $4  }
0x47: {  	_ = 	snop  }
0x48: {  	v2 =	vadd.f32 v1, v2  }
0x49: {  	s21 =	sshra.s32 s20, $0x2  }
0x4a: {  	s20 =	sadd.s32 $0x40, s20;
	v1 =	vld [tilespmem:s21+$0xC350];
	[tilespmem:s19+$0xC840] =	vst v2;
	s19 =	smov.u32 s21  }
0x4b: {  	v2 =	vld [tilespmem:s19+$0xC840]  }
0x4c: {  	s18 =	sadd.s32 $0x1, s18  }
0x4d: {  	p0 =	sne.s32 s18, $0x10  }
.Ltmp4:
0x4e: {  	_ = 	snop;
	(pc) =	sbr.rel @p0 .LBB2_8-.Ltmp4, $3  }
0x4f: {  	_ = 	snop  }
0x50: {  	v1 =	vadd.f32 v1, v2;
	_ =	sdelay $0x1  }
0x51: {  	[tilespmem:s19+$0xC840] =	vst v1  }
0x52: {  	s18 =	simm.s32 $0x0  }
0x53: {  	[hbm4b:s7+s18] =	stream.linear.scatter [tilespmem:s15], [sflag:$0x1], $0x4F0, $0x38;
	[tilespmem:$0x1B050] =	vst v63  }
0x54: {  	_ =	swait.ge [sflag:s11], $0x4F0  }
0x55: {  	[sflag:s11] =	ssyncset.done $0x0  }
0x56: {  	[sflag:s11] =	ssyncadd.s32 $0xFFFFFB10  }
0x57: {  	[bflag:$0x0] =	sbarrier.arrive $0xFFFF  }
0x58: {  	[spmem:s5] =	stream.linear.scatter [tilespmem:s16], [sflag:$0x1], $0x4F00, $0x38;
	[tilespmem:$0x1B050] =	vst v63  }
0x59: {  	_ =	swait.ge [sflag:s11], $0x4F00  }
0x5a: {  	[sflag:s11] =	ssyncset.done $0x0  }
0x5b: {  	[sflag:s11] =	ssyncadd.s32 $0xFFFFB100  }
0x5c: {  	s19 =	simm.s32 $0x40;
	s20 =	simm.s32 $0x0;
	[bflag:$0x0] =	sbarrier.arrive $0xFFFF  }
.LBB2_12:
0x5d: {  	p0 =	sne.s32 s19, $0x1380;
	[tilespmem:s20+$0xC840] =	vst v0;
	s20 =	smov.u32 s19;
	s19 =	sadd.s32 $0x40, s19  }
.Ltmp5:
0x5e: {  	(pc) =	sbr.rel @p0 .LBB2_12-.Ltmp5, $2  }
0x5f: {  	_ =	sdelay $0x2  }
0x60: {  	s20 =	sshra.s32 s20, $0x2  }
0x61: {  	[tilespmem:s20+$0xC840] =	vst v0  }
.LBB2_14:
0x62: {  	s19 =	smul.u32 $0x13C00, s18;
	_ =	sdelay $0x1  }
0x63: {  	s19 =	sshra.s32 s19, $0x2  }
0x64: {  	s19 =	sadd.s32 s19, s8  }
0x65: {  	[tilespmem:s14], [sflag:$0x1] =	stream.linear.gather [spmem:s19], $0x4F0, $0x38;
	[tilespmem:$0x1B050] =	vst v63  }
0x66: {  	_ =	swait.ge [sflag:s11], $0x4F0  }
0x67: {  	[sflag:s11] =	ssyncset.done $0x0  }
0x68: {  	s19 =	simm.s32 $0x0;
	[sflag:s11] =	ssyncadd.s32 $0xFFFFFB10  }
0x69: {  	s20 =	simm.s32 $0x40;
	v1 =	vld [tilespmem:s19+$0xC350]  }
.LBB2_15:
0x6a: {  	p0 =	sne.s32 s20, $0x1380;
	v2 =	vld [tilespmem:s19+$0xC840];
	_ =	sdelay $0x2  }
.Ltmp6:
0x6b: {  	(pc) =	sbr.rel @p0 .LBB2_15-.Ltmp6, $4  }
0x6c: {  	_ = 	snop  }
0x6d: {  	v2 =	vadd.f32 v1, v2  }
0x6e: {  	s21 =	sshra.s32 s20, $0x2  }
0x6f: {  	s20 =	sadd.s32 $0x40, s20;
	v1 =	vld [tilespmem:s21+$0xC350];
	[tilespmem:s19+$0xC840] =	vst v2;
	s19 =	smov.u32 s21  }
0x70: {  	v2 =	vld [tilespmem:s19+$0xC840]  }
0x71: {  	s18 =	sadd.s32 $0x1, s18  }
0x72: {  	p0 =	sne.s32 s18, $0x10  }
.Ltmp7:
0x73: {  	_ = 	snop;
	(pc) =	sbr.rel @p0 .LBB2_14-.Ltmp7, $3  }
0x74: {  	_ = 	snop  }
0x75: {  	v1 =	vadd.f32 v1, v2;
	_ =	sdelay $0x1  }
0x76: {  	[tilespmem:s19+$0xC840] =	vst v1  }
0x77: {  	s17 =	sadd.s32 $0x1, s17  }
0x78: {  	p0 =	sne.s32 s17, s10  }
.Ltmp8:
0x79: {  	_ = 	snop;
	(pc) =	sbr.rel @p0 .LBB2_1-.Ltmp8, $4  }
0x7a: {  	[hbm4b:s9+s2] =	stream.linear.scatter [tilespmem:s15], [sflag:$0x1], $0x4F0, $0x38;
	[tilespmem:$0x1B050] =	vst v63  }
0x7b: {  	_ =	swait.ge [sflag:s11], $0x4F0  }
0x7c: {  	[sflag:s11] =	ssyncset.done $0x0  }
0x7d: {  	[sflag:s11] =	ssyncadd.s32 $0xFFFFFB10  }
0x7e: {  	_ =	sfence.sel $0x180000  }
0x7f: {  	[bflag:$0x0] =	sbarrier.arrive $0xFFFF  }
0x80: {  	p0 =	sne.s32 s0, $0x0;
	_ =	strace $0x90000047  }
0x81: {  	s0 =	sadd.s32 @!p0 $0x100000, s1;
	[bflag:$0x2] =	sbarrier.arrive $0xFFFF  }
0x82: {  	[sflag:s0] =	ssyncadd.tile.s32 @!p0 $0x1;
	_ =	shalt  }
.Lfunc_end2:
_tile_overlayer_lowered:
.L_overlay_start_2:
0x83: {  	(tag) =	ssettag $0x2  }
0x84: {  	s0 =	rddreg [dreg:$0x0];
	s2 =	stileid.u32  }
0x85: {  	s1 =	rddreg [dreg:$0x1];
	p0 =	sne.s32 s2, $0x0  }
0x86: {  	s3 =	rddreg [dreg:$0x2];
	[bflag:$0x3] =	sbarrier.arrive $0xFFFF;
	s2 =	simm.s32 @!p0 $0x1C01  }
0x87: {  	[timem:s3], [sflag:s2] =	dma.local @!p0 [hbm:s0], s1  }
0x88: {  	s0 =	simm.s32 @!p0 $0x1  }
0x89: {  	_ =	swait.ge @!p0 [sflag:s0], s1  }
0x8a: {  	s1 =	ssub.s32 @!p0 $0x0, s1;
	[sflag:s0] =	ssyncset.done @!p0 $0x0  }
0x8b: {  	[sflag:s0] =	ssyncadd.s32 @!p0 s1  }
0x8c: {  	[bflag:$0x3] =	sbarrier.arrive $0xFFFF  }
0x8d: {  	_ =	shalt  }

</sc_bundles>
